<compile_context>
chip_gen: v7x
topology: tpu7x:2x2x1
jax: 0.10.2.dev20260603
libtpu: 0.0.44.dev20260713+nightly
codegen_flags: <defaults>
</compile_context>

<pallas_src>
import functools

import jax
import jax.numpy as jnp
from jax import lax
from jax.experimental import pallas as pl
from jax.experimental.pallas import tpu as pltpu
from jax.experimental.pallas import tpu_sc as plsc

NC = 2
NS = 16
NW = NC * NS
BATCH = 16384
D = 16
BPW = BATCH // NW
CH = 128
NCH = BPW // CH
NG = BPW // 16


def _rsqrt(x):
    i = plsc.bitcast(x, jnp.int32)
    y = plsc.bitcast(jnp.int32(0x5F3759DF) - (i >> 1), jnp.float32)
    for _ in range(3):
        y = y * (1.5 - 0.5 * x * y * y)
    return y


def _norm_inv(ss):
    r = _rsqrt(jnp.maximum(ss, jnp.float32(1e-24)))
    return jnp.where(ss > 1e-24, r, jnp.float32(1e12))


def _sqrt_nn(x):
    return x * _rsqrt(jnp.maximum(x, jnp.float32(1e-30)))


def kernel(users, adjacent_items, weak_items, strong_items,
           user_structure, item_structure):
    mesh = plsc.VectorSubcoreMesh(core_axis_name="c", subcore_axis_name="s")
    out_t = jax.ShapeDtypeStruct((BATCH,), jnp.float32)

    @functools.partial(
        pl.kernel,
        mesh=mesh,
        out_type=(out_t, out_t, out_t),
        compiler_params=pltpu.CompilerParams(
            needs_layout_passes=False, use_tc_tiling_on_sc=False),
        scratch_types=[
            pltpu.VMEM((BPW,), jnp.int32),
            pltpu.VMEM((BPW,), jnp.int32),
            pltpu.VMEM((BPW,), jnp.int32),
            pltpu.VMEM((BPW,), jnp.int32),
            pltpu.VMEM((BPW, D), jnp.float32),
            pltpu.VMEM((BPW, D), jnp.float32),
            pltpu.VMEM((BPW, D), jnp.float32),
            pltpu.VMEM((BPW, D), jnp.float32),
            pltpu.VMEM((BPW,), jnp.float32),
            pltpu.VMEM((BPW,), jnp.float32),
            pltpu.VMEM((BPW,), jnp.float32),
            pltpu.SemaphoreType.DMA,
        ],
    )
    def run(users_h, adj_h, weak_h, strong_h, utab_h, itab_h,
            oa_h, ow_h, os_h,
            iu, ia, iw, ist, ru, ra, rw, rs, oa, ow, osv, sem):
        wid = lax.axis_index("s") * NC + lax.axis_index("c")
        base = wid * BPW

        cps = [
            pltpu.async_copy(users_h.at[pl.ds(base, BPW)], iu, sem),
            pltpu.async_copy(adj_h.at[pl.ds(base, BPW)], ia, sem),
            pltpu.async_copy(weak_h.at[pl.ds(base, BPW)], iw, sem),
            pltpu.async_copy(strong_h.at[pl.ds(base, BPW)], ist, sem),
        ]
        for c in cps:
            c.wait()

        cps = []
        for j in range(NCH):
            sl = pl.ds(j * CH, CH)
            cps.append(pltpu.async_copy(utab_h.at[iu.at[sl]], ru.at[sl], sem))
            cps.append(pltpu.async_copy(itab_h.at[ia.at[sl]], ra.at[sl], sem))
            cps.append(pltpu.async_copy(itab_h.at[iw.at[sl]], rw.at[sl], sem))
            cps.append(pltpu.async_copy(itab_h.at[ist.at[sl]], rs.at[sl], sem))
        for c in cps:
            c.wait()

        iota = lax.iota(jnp.int32, 16)
        eps = jnp.float32(1e-6)
        deps2 = jnp.float32(D * 1e-6 * 1e-6)
        zero = jnp.zeros((16,), jnp.float32)

        def group(g, carry):
            row0 = g * 16
            rows = row0 + iota
            ssu = ssa = ssw = sss = zero
            su = sa = sw = ss_ = zero
            dua = duw = dus = zero
            for d in range(D):
                cd = jnp.full((16,), d, jnp.int32)
                u = plsc.load_gather(ru, [rows, cd])
                a = plsc.load_gather(ra, [rows, cd])
                w = plsc.load_gather(rw, [rows, cd])
                s = plsc.load_gather(rs, [rows, cd])
                ssu = ssu + u * u
                ssa = ssa + a * a
                ssw = ssw + w * w
                sss = sss + s * s
                su = su + u
                sa = sa + a
                sw = sw + w
                ss_ = ss_ + s
                dua = dua + u * a
                duw = duw + u * w
                dus = dus + u * s
            nu = _norm_inv(ssu)
            na = _norm_inv(ssa)
            nw_ = _norm_inv(ssw)
            ns = _norm_inv(sss)
            squ = ssu * nu * nu
            suu = su * nu
            for (ss2, n2, s2, dot, out_ref) in (
                    (ssa, na, sa, dua, oa),
                    (ssw, nw_, sw, duw, ow),
                    (sss, ns, ss_, dus, osv)):
                d2 = (squ + ss2 * n2 * n2 + deps2
                      - 2.0 * dot * nu * n2
                      + (2.0 * eps) * (suu - s2 * n2))
                dist = _sqrt_nn(jnp.maximum(d2, jnp.float32(0.0)))
                out_ref[pl.ds(row0, 16)] = 1.0 - 0.5 * dist
            return carry

        lax.fori_loop(0, NG, group, 0)

        pltpu.sync_copy(oa, oa_h.at[pl.ds(base, BPW)])
        pltpu.sync_copy(ow, ow_h.at[pl.ds(base, BPW)])
        pltpu.sync_copy(osv, os_h.at[pl.ds(base, BPW)])

    return run(users, adjacent_items, weak_items, strong_items,
               user_structure, item_structure)

# --- scband reference (transcript-rebuilt; emitter-appended) ---
"""Pipeline reference for scband-structure-14654428414615 (READ-ONLY COPY).

The authoritative reference and input builder live on the scoring server;
editing this copy changes nothing except your own understanding.
"""

import jax, jax.numpy as jnp
import numpy as np

NUM_USERS = 1000000
NUM_ITEMS = 1000000
NUM_COMMUNITY = 16
BATCH = 16384


def _normalize(x):
    # torch F.normalize(p=2, dim=-1, eps=1e-12)
    n = jnp.maximum(jnp.linalg.norm(x, axis=-1, keepdims=True), 1e-12)
    return x / n


def _pairwise_distance(a, b):
    # torch nn.PairwiseDistance(p=2, eps=1e-6): ||a - b + eps||_2
    return jnp.linalg.norm(a - b + 1e-6, axis=-1)


def setup_inputs(seed: int = 0) -> dict:
    key = jax.random.key(seed)
    ks = jax.random.split(key, 6)
    stdv = 1.0 / np.sqrt(NUM_COMMUNITY)
    user_structure = jax.random.uniform(ks[0], (NUM_USERS, NUM_COMMUNITY), minval=-stdv, maxval=stdv, dtype=jnp.float32)
    item_structure = jax.random.uniform(ks[1], (NUM_ITEMS, NUM_COMMUNITY), minval=-stdv, maxval=stdv, dtype=jnp.float32)
    users = jax.random.randint(ks[2], (BATCH,), 0, NUM_USERS, dtype=jnp.int32)
    adjacent_items = jax.random.randint(ks[3], (BATCH,), 0, NUM_ITEMS, dtype=jnp.int32)
    weak_items = jax.random.randint(ks[4], (BATCH,), 0, NUM_ITEMS, dtype=jnp.int32)
    strong_items = jax.random.randint(ks[5], (BATCH,), 0, NUM_ITEMS, dtype=jnp.int32)
    return {
        'users': users,
        'adjacent_items': adjacent_items,
        'weak_items': weak_items,
        'strong_items': strong_items,
        'user_structure': user_structure,
        'item_structure': item_structure,
    }


def reference(users, adjacent_items, weak_items, strong_items, user_structure, item_structure):
    users_structure = jnp.take(user_structure, users, axis=0)
    adjacent_items_structure = jnp.take(item_structure, adjacent_items, axis=0)
    weak_items_structure = jnp.take(item_structure, weak_items, axis=0)
    strong_items_structure = jnp.take(item_structure, strong_items, axis=0)

    users_map = _normalize(users_structure)
    adjacent_items_map = _normalize(adjacent_items_structure)
    weak_items_map = _normalize(weak_items_structure)
    strong_items_map = _normalize(strong_items_structure)

    adjacent_gamma = (2.0 - _pairwise_distance(users_map, adjacent_items_map)) / 2.0
    weak_gamma = (2.0 - _pairwise_distance(users_map, weak_items_map)) / 2.0
    strong_gamma = (2.0 - _pairwise_distance(users_map, strong_items_map)) / 2.0
    return (adjacent_gamma, weak_gamma, strong_gamma)

if __name__ == "__main__":
    import jax
    _d = setup_inputs()
    print(jax.jit(kernel)(*tuple(_d.values())))

</pallas_src>

<mosaic_0001>
#map = affine_map<(d0, d1) -> (0)>
#map1 = affine_map<(d0, d1) -> (0, 0)>
module attributes {stable_mosaic.version = 14 : i64} {
  func.func @run(%arg0: i32, %arg1: i32, %arg2: memref<16384xi32, #tpu.memory_space<hbm>>, %arg3: memref<16384xi32, #tpu.memory_space<hbm>>, %arg4: memref<16384xi32, #tpu.memory_space<hbm>>, %arg5: memref<16384xi32, #tpu.memory_space<hbm>>, %arg6: memref<1000000x16xf32, #tpu.memory_space<hbm>>, %arg7: memref<1000000x16xf32, #tpu.memory_space<hbm>>, %arg8: memref<16384xf32, #tpu.memory_space<hbm>>, %arg9: memref<16384xf32, #tpu.memory_space<hbm>>, %arg10: memref<16384xf32, #tpu.memory_space<hbm>>, %arg11: memref<512xi32, #tpu.memory_space<vmem>>, %arg12: memref<512xi32, #tpu.memory_space<vmem>>, %arg13: memref<512xi32, #tpu.memory_space<vmem>>, %arg14: memref<512xi32, #tpu.memory_space<vmem>>, %arg15: memref<512x16xf32, #tpu.memory_space<vmem>>, %arg16: memref<512x16xf32, #tpu.memory_space<vmem>>, %arg17: memref<512x16xf32, #tpu.memory_space<vmem>>, %arg18: memref<512x16xf32, #tpu.memory_space<vmem>>, %arg19: memref<512xf32, #tpu.memory_space<vmem>>, %arg20: memref<512xf32, #tpu.memory_space<vmem>>, %arg21: memref<512xf32, #tpu.memory_space<vmem>>, %arg22: memref<!tpu.dma_semaphore, #tpu.memory_space<semaphore_mem>>) attributes {dimension_semantics = [#tpu.dimension_semantics<core_parallel>, #tpu.dimension_semantics<subcore_parallel>], iteration_bounds = array<i64: 2, 16>, scalar_prefetch = 0 : i64, scratch_operands = 12 : i64, tpu.core_type = #tpu.core_type<sc_vector_subcore>, window_params = [{transform_indices = #map}, {transform_indices = #map}, {transform_indices = #map}, {transform_indices = #map}, {transform_indices = #map1}, {transform_indices = #map1}, {transform_indices = #map}, {transform_indices = #map}, {transform_indices = #map}]} {
    %mul3A = arith.constant 2 : i32
    %mul3A_0 = arith.muli %arg1, %mul3A : i32
    %add3A = arith.addi %mul3A_0, %arg0 : i32
    %mul3A_1 = arith.constant 512 : i32
    %mul3A_2 = arith.muli %add3A, %mul3A_1 : i32
    %dma_start3A = tpu.memref_slice %arg2[%mul3A_2] : memref<16384xi32, #tpu.memory_space<hbm>> -> memref<512xi32, #tpu.memory_space<hbm>>
    %dma_start3A_3 = tpu.memref_slice %arg2[%mul3A_2] : memref<16384xi32, #tpu.memory_space<hbm>> -> memref<512xi32, #tpu.memory_space<hbm>>
    tpu.enqueue_dma source(%dma_start3A_3 : memref<512xi32, #tpu.memory_space<hbm>>) target(%arg11 : memref<512xi32, #tpu.memory_space<vmem>>) target_semaphore(%arg22 : memref<!tpu.dma_semaphore, #tpu.memory_space<semaphore_mem>>)
    %dma_start3A_4 = tpu.memref_slice %arg3[%mul3A_2] : memref<16384xi32, #tpu.memory_space<hbm>> -> memref<512xi32, #tpu.memory_space<hbm>>
    %dma_start3A_5 = tpu.memref_slice %arg3[%mul3A_2] : memref<16384xi32, #tpu.memory_space<hbm>> -> memref<512xi32, #tpu.memory_space<hbm>>
    tpu.enqueue_dma source(%dma_start3A_5 : memref<512xi32, #tpu.memory_space<hbm>>) target(%arg12 : memref<512xi32, #tpu.memory_space<vmem>>) target_semaphore(%arg22 : memref<!tpu.dma_semaphore, #tpu.memory_space<semaphore_mem>>)
    %dma_start3A_6 = tpu.memref_slice %arg4[%mul3A_2] : memref<16384xi32, #tpu.memory_space<hbm>> -> memref<512xi32, #tpu.memory_space<hbm>>
    %dma_start3A_7 = tpu.memref_slice %arg4[%mul3A_2] : memref<16384xi32, #tpu.memory_space<hbm>> -> memref<512xi32, #tpu.memory_space<hbm>>
    tpu.enqueue_dma source(%dma_start3A_7 : memref<512xi32, #tpu.memory_space<hbm>>) target(%arg13 : memref<512xi32, #tpu.memory_space<vmem>>) target_semaphore(%arg22 : memref<!tpu.dma_semaphore, #tpu.memory_space<semaphore_mem>>)
    %dma_start3A_8 = tpu.memref_slice %arg5[%mul3A_2] : memref<16384xi32, #tpu.memory_space<hbm>> -> memref<512xi32, #tpu.memory_space<hbm>>
    %dma_start3A_9 = tpu.memref_slice %arg5[%mul3A_2] : memref<16384xi32, #tpu.memory_space<hbm>> -> memref<512xi32, #tpu.memory_space<hbm>>
    tpu.enqueue_dma source(%dma_start3A_9 : memref<512xi32, #tpu.memory_space<hbm>>) target(%arg14 : memref<512xi32, #tpu.memory_space<vmem>>) target_semaphore(%arg22 : memref<!tpu.dma_semaphore, #tpu.memory_space<semaphore_mem>>)
    %dma_wait3A = tpu.memref_slice %arg2[%mul3A_2] : memref<16384xi32, #tpu.memory_space<hbm>> -> memref<512xi32, #tpu.memory_space<hbm>>
    %dma_wait3A_10 = tpu.memref_slice %arg2[%mul3A_2] : memref<16384xi32, #tpu.memory_space<hbm>> -> memref<512xi32, #tpu.memory_space<hbm>>
    tpu.wait_dma2 semaphore(%arg22 : memref<!tpu.dma_semaphore, #tpu.memory_space<semaphore_mem>>) src(%dma_wait3A_10 : memref<512xi32, #tpu.memory_space<hbm>>) dst(%arg11 : memref<512xi32, #tpu.memory_space<vmem>>)
    %dma_wait3A_11 = tpu.memref_slice %arg3[%mul3A_2] : memref<16384xi32, #tpu.memory_space<hbm>> -> memref<512xi32, #tpu.memory_space<hbm>>
    %dma_wait3A_12 = tpu.memref_slice %arg3[%mul3A_2] : memref<16384xi32, #tpu.memory_space<hbm>> -> memref<512xi32, #tpu.memory_space<hbm>>
    tpu.wait_dma2 semaphore(%arg22 : memref<!tpu.dma_semaphore, #tpu.memory_space<semaphore_mem>>) src(%dma_wait3A_12 : memref<512xi32, #tpu.memory_space<hbm>>) dst(%arg12 : memref<512xi32, #tpu.memory_space<vmem>>)
    %dma_wait3A_13 = tpu.memref_slice %arg4[%mul3A_2] : memref<16384xi32, #tpu.memory_space<hbm>> -> memref<512xi32, #tpu.memory_space<hbm>>
    %dma_wait3A_14 = tpu.memref_slice %arg4[%mul3A_2] : memref<16384xi32, #tpu.memory_space<hbm>> -> memref<512xi32, #tpu.memory_space<hbm>>
    tpu.wait_dma2 semaphore(%arg22 : memref<!tpu.dma_semaphore, #tpu.memory_space<semaphore_mem>>) src(%dma_wait3A_14 : memref<512xi32, #tpu.memory_space<hbm>>) dst(%arg13 : memref<512xi32, #tpu.memory_space<vmem>>)
    %dma_wait3A_15 = tpu.memref_slice %arg5[%mul3A_2] : memref<16384xi32, #tpu.memory_space<hbm>> -> memref<512xi32, #tpu.memory_space<hbm>>
    %dma_wait3A_16 = tpu.memref_slice %arg5[%mul3A_2] : memref<16384xi32, #tpu.memory_space<hbm>> -> memref<512xi32, #tpu.memory_space<hbm>>
    tpu.wait_dma2 semaphore(%arg22 : memref<!tpu.dma_semaphore, #tpu.memory_space<semaphore_mem>>) src(%dma_wait3A_16 : memref<512xi32, #tpu.memory_space<hbm>>) dst(%arg14 : memref<512xi32, #tpu.memory_space<vmem>>)
    %dma_start3A_17 = arith.constant 0 : i32
    %dma_start3A_18 = arith.constant 0 : i32
    %dma_start3A_19 = tpu.memref_slice %arg15[%dma_start3A_17, %dma_start3A_18] : memref<512x16xf32, #tpu.memory_space<vmem>> -> memref<128x16xf32, #tpu.memory_space<vmem>>
    %dma_start3A_20 = arith.constant 0 : i32
    %dma_start3A_21 = tpu.memref_slice %arg11[%dma_start3A_20] : memref<512xi32, #tpu.memory_space<vmem>> -> memref<128xi32, #tpu.memory_space<vmem>>
    %dma_start3A_22 = arith.constant 0 : i32
    %dma_start3A_23 = arith.constant 0 : i32
    %dma_start3A_24 = tpu.memref_slice %arg6[%dma_start3A_22, %dma_start3A_23] : memref<1000000x16xf32, #tpu.memory_space<hbm>> -> memref<1000000x16xf32, #tpu.memory_space<hbm>>
    tpu.enqueue_indirect_dma source(%dma_start3A_24 : memref<1000000x16xf32, #tpu.memory_space<hbm>>) target(%dma_start3A_19 : memref<128x16xf32, #tpu.memory_space<vmem>>) offsets(%dma_start3A_21 : memref<128xi32, #tpu.memory_space<vmem>>) semaphore(%arg22 : memref<!tpu.dma_semaphore, #tpu.memory_space<semaphore_mem>>)
    %dma_start3A_25 = arith.constant 0 : i32
    %dma_start3A_26 = arith.constant 0 : i32
    %dma_start3A_27 = tpu.memref_slice %arg16[%dma_start3A_25, %dma_start3A_26] : memref<512x16xf32, #tpu.memory_space<vmem>> -> memref<128x16xf32, #tpu.memory_space<vmem>>
    %dma_start3A_28 = arith.constant 0 : i32
    %dma_start3A_29 = tpu.memref_slice %arg12[%dma_start3A_28] : memref<512xi32, #tpu.memory_space<vmem>> -> memref<128xi32, #tpu.memory_space<vmem>>
    %dma_start3A_30 = arith.constant 0 : i32
    %dma_start3A_31 = arith.constant 0 : i32
    %dma_start3A_32 = tpu.memref_slice %arg7[%dma_start3A_30, %dma_start3A_31] : memref<1000000x16xf32, #tpu.memory_space<hbm>> -> memref<1000000x16xf32, #tpu.memory_space<hbm>>
    tpu.enqueue_indirect_dma source(%dma_start3A_32 : memref<1000000x16xf32, #tpu.memory_space<hbm>>) target(%dma_start3A_27 : memref<128x16xf32, #tpu.memory_space<vmem>>) offsets(%dma_start3A_29 : memref<128xi32, #tpu.memory_space<vmem>>) semaphore(%arg22 : memref<!tpu.dma_semaphore, #tpu.memory_space<semaphore_mem>>)
    %dma_start3A_33 = arith.constant 0 : i32
    %dma_start3A_34 = arith.constant 0 : i32
    %dma_start3A_35 = tpu.memref_slice %arg17[%dma_start3A_33, %dma_start3A_34] : memref<512x16xf32, #tpu.memory_space<vmem>> -> memref<128x16xf32, #tpu.memory_space<vmem>>
    %dma_start3A_36 = arith.constant 0 : i32
    %dma_start3A_37 = tpu.memref_slice %arg13[%dma_start3A_36] : memref<512xi32, #tpu.memory_space<vmem>> -> memref<128xi32, #tpu.memory_space<vmem>>
    %dma_start3A_38 = arith.constant 0 : i32
    %dma_start3A_39 = arith.constant 0 : i32
    %dma_start3A_40 = tpu.memref_slice %arg7[%dma_start3A_38, %dma_start3A_39] : memref<1000000x16xf32, #tpu.memory_space<hbm>> -> memref<1000000x16xf32, #tpu.memory_space<hbm>>
    tpu.enqueue_indirect_dma source(%dma_start3A_40 : memref<1000000x16xf32, #tpu.memory_space<hbm>>) target(%dma_start3A_35 : memref<128x16xf32, #tpu.memory_space<vmem>>) offsets(%dma_start3A_37 : memref<128xi32, #tpu.memory_space<vmem>>) semaphore(%arg22 : memref<!tpu.dma_semaphore, #tpu.memory_space<semaphore_mem>>)
    %dma_start3A_41 = arith.constant 0 : i32
    %dma_start3A_42 = arith.constant 0 : i32
    %dma_start3A_43 = tpu.memref_slice %arg18[%dma_start3A_41, %dma_start3A_42] : memref<512x16xf32, #tpu.memory_space<vmem>> -> memref<128x16xf32, #tpu.memory_space<vmem>>
    %dma_start3A_44 = arith.constant 0 : i32
    %dma_start3A_45 = tpu.memref_slice %arg14[%dma_start3A_44] : memref<512xi32, #tpu.memory_space<vmem>> -> memref<128xi32, #tpu.memory_space<vmem>>
    %dma_start3A_46 = arith.constant 0 : i32
    %dma_start3A_47 = arith.constant 0 : i32
    %dma_start3A_48 = tpu.memref_slice %arg7[%dma_start3A_46, %dma_start3A_47] : memref<1000000x16xf32, #tpu.memory_space<hbm>> -> memref<1000000x16xf32, #tpu.memory_space<hbm>>
    tpu.enqueue_indirect_dma source(%dma_start3A_48 : memref<1000000x16xf32, #tpu.memory_space<hbm>>) target(%dma_start3A_43 : memref<128x16xf32, #tpu.memory_space<vmem>>) offsets(%dma_start3A_45 : memref<128xi32, #tpu.memory_space<vmem>>) semaphore(%arg22 : memref<!tpu.dma_semaphore, #tpu.memory_space<semaphore_mem>>)
    %dma_start3A_49 = arith.constant 128 : i32
    %dma_start3A_50 = arith.constant 0 : i32
    %dma_start3A_51 = tpu.memref_slice %arg15[%dma_start3A_49, %dma_start3A_50] : memref<512x16xf32, #tpu.memory_space<vmem>> -> memref<128x16xf32, #tpu.memory_space<vmem>>
    %dma_start3A_52 = arith.constant 128 : i32
    %dma_start3A_53 = tpu.memref_slice %arg11[%dma_start3A_52] : memref<512xi32, #tpu.memory_space<vmem>> -> memref<128xi32, #tpu.memory_space<vmem>>
    %dma_start3A_54 = arith.constant 0 : i32
    %dma_start3A_55 = arith.constant 0 : i32
    %dma_start3A_56 = tpu.memref_slice %arg6[%dma_start3A_54, %dma_start3A_55] : memref<1000000x16xf32, #tpu.memory_space<hbm>> -> memref<1000000x16xf32, #tpu.memory_space<hbm>>
    tpu.enqueue_indirect_dma source(%dma_start3A_56 : memref<1000000x16xf32, #tpu.memory_space<hbm>>) target(%dma_start3A_51 : memref<128x16xf32, #tpu.memory_space<vmem>>) offsets(%dma_start3A_53 : memref<128xi32, #tpu.memory_space<vmem>>) semaphore(%arg22 : memref<!tpu.dma_semaphore, #tpu.memory_space<semaphore_mem>>)
    %dma_start3A_57 = arith.constant 128 : i32
    %dma_start3A_58 = arith.constant 0 : i32
    %dma_start3A_59 = tpu.memref_slice %arg16[%dma_start3A_57, %dma_start3A_58] : memref<512x16xf32, #tpu.memory_space<vmem>> -> memref<128x16xf32, #tpu.memory_space<vmem>>
    %dma_start3A_60 = arith.constant 128 : i32
    %dma_start3A_61 = tpu.memref_slice %arg12[%dma_start3A_60] : memref<512xi32, #tpu.memory_space<vmem>> -> memref<128xi32, #tpu.memory_space<vmem>>
    %dma_start3A_62 = arith.constant 0 : i32
    %dma_start3A_63 = arith.constant 0 : i32
    %dma_start3A_64 = tpu.memref_slice %arg7[%dma_start3A_62, %dma_start3A_63] : memref<1000000x16xf32, #tpu.memory_space<hbm>> -> memref<1000000x16xf32, #tpu.memory_space<hbm>>
    tpu.enqueue_indirect_dma source(%dma_start3A_64 : memref<1000000x16xf32, #tpu.memory_space<hbm>>) target(%dma_start3A_59 : memref<128x16xf32, #tpu.memory_space<vmem>>) offsets(%dma_start3A_61 : memref<128xi32, #tpu.memory_space<vmem>>) semaphore(%arg22 : memref<!tpu.dma_semaphore, #tpu.memory_space<semaphore_mem>>)
    %dma_start3A_65 = arith.constant 128 : i32
    %dma_start3A_66 = arith.constant 0 : i32
    %dma_start3A_67 = tpu.memref_slice %arg17[%dma_start3A_65, %dma_start3A_66] : memref<512x16xf32, #tpu.memory_space<vmem>> -> memref<128x16xf32, #tpu.memory_space<vmem>>
    %dma_start3A_68 = arith.constant 128 : i32
    %dma_start3A_69 = tpu.memref_slice %arg13[%dma_start3A_68] : memref<512xi32, #tpu.memory_space<vmem>> -> memref<128xi32, #tpu.memory_space<vmem>>
    %dma_start3A_70 = arith.constant 0 : i32
    %dma_start3A_71 = arith.constant 0 : i32
    %dma_start3A_72 = tpu.memref_slice %arg7[%dma_start3A_70, %dma_start3A_71] : memref<1000000x16xf32, #tpu.memory_space<hbm>> -> memref<1000000x16xf32, #tpu.memory_space<hbm>>
    tpu.enqueue_indirect_dma source(%dma_start3A_72 : memref<1000000x16xf32, #tpu.memory_space<hbm>>) target(%dma_start3A_67 : memref<128x16xf32, #tpu.memory_space<vmem>>) offsets(%dma_start3A_69 : memref<128xi32, #tpu.memory_space<vmem>>) semaphore(%arg22 : memref<!tpu.dma_semaphore, #tpu.memory_space<semaphore_mem>>)
    %dma_start3A_73 = arith.constant 128 : i32
    %dma_start3A_74 = arith.constant 0 : i32
    %dma_start3A_75 = tpu.memref_slice %arg18[%dma_start3A_73, %dma_start3A_74] : memref<512x16xf32, #tpu.memory_space<vmem>> -> memref<128x16xf32, #tpu.memory_space<vmem>>
    %dma_start3A_76 = arith.constant 128 : i32
    %dma_start3A_77 = tpu.memref_slice %arg14[%dma_start3A_76] : memref<512xi32, #tpu.memory_space<vmem>> -> memref<128xi32, #tpu.memory_space<vmem>>
    %dma_start3A_78 = arith.constant 0 : i32
    %dma_start3A_79 = arith.constant 0 : i32
    %dma_start3A_80 = tpu.memref_slice %arg7[%dma_start3A_78, %dma_start3A_79] : memref<1000000x16xf32, #tpu.memory_space<hbm>> -> memref<1000000x16xf32, #tpu.memory_space<hbm>>
    tpu.enqueue_indirect_dma source(%dma_start3A_80 : memref<1000000x16xf32, #tpu.memory_space<hbm>>) target(%dma_start3A_75 : memref<128x16xf32, #tpu.memory_space<vmem>>) offsets(%dma_start3A_77 : memref<128xi32, #tpu.memory_space<vmem>>) semaphore(%arg22 : memref<!tpu.dma_semaphore, #tpu.memory_space<semaphore_mem>>)
    %dma_start3A_81 = arith.constant 256 : i32
    %dma_start3A_82 = arith.constant 0 : i32
    %dma_start3A_83 = tpu.memref_slice %arg15[%dma_start3A_81, %dma_start3A_82] : memref<512x16xf32, #tpu.memory_space<vmem>> -> memref<128x16xf32, #tpu.memory_space<vmem>>
    %dma_start3A_84 = arith.constant 256 : i32
    %dma_start3A_85 = tpu.memref_slice %arg11[%dma_start3A_84] : memref<512xi32, #tpu.memory_space<vmem>> -> memref<128xi32, #tpu.memory_space<vmem>>
    %dma_start3A_86 = arith.constant 0 : i32
    %dma_start3A_87 = arith.constant 0 : i32
    %dma_start3A_88 = tpu.memref_slice %arg6[%dma_start3A_86, %dma_start3A_87] : memref<1000000x16xf32, #tpu.memory_space<hbm>> -> memref<1000000x16xf32, #tpu.memory_space<hbm>>
    tpu.enqueue_indirect_dma source(%dma_start3A_88 : memref<1000000x16xf32, #tpu.memory_space<hbm>>) target(%dma_start3A_83 : memref<128x16xf32, #tpu.memory_space<vmem>>) offsets(%dma_start3A_85 : memref<128xi32, #tpu.memory_space<vmem>>) semaphore(%arg22 : memref<!tpu.dma_semaphore, #tpu.memory_space<semaphore_mem>>)
    %dma_start3A_89 = arith.constant 256 : i32
    %dma_start3A_90 = arith.constant 0 : i32
    %dma_start3A_91 = tpu.memref_slice %arg16[%dma_start3A_89, %dma_start3A_90] : memref<512x16xf32, #tpu.memory_space<vmem>> -> memref<128x16xf32, #tpu.memory_space<vmem>>
    %dma_start3A_92 = arith.constant 256 : i32
    %dma_start3A_93 = tpu.memref_slice %arg12[%dma_start3A_92] : memref<512xi32, #tpu.memory_space<vmem>> -> memref<128xi32, #tpu.memory_space<vmem>>
    %dma_start3A_94 = arith.constant 0 : i32
    %dma_start3A_95 = arith.constant 0 : i32
    %dma_start3A_96 = tpu.memref_slice %arg7[%dma_start3A_94, %dma_start3A_95] : memref<1000000x16xf32, #tpu.memory_space<hbm>> -> memref<1000000x16xf32, #tpu.memory_space<hbm>>
    tpu.enqueue_indirect_dma source(%dma_start3A_96 : memref<1000000x16xf32, #tpu.memory_space<hbm>>) target(%dma_start3A_91 : memref<128x16xf32, #tpu.memory_space<vmem>>) offsets(%dma_start3A_93 : memref<128xi32, #tpu.memory_space<vmem>>) semaphore(%arg22 : memref<!tpu.dma_semaphore, #tpu.memory_space<semaphore_mem>>)
    %dma_start3A_97 = arith.constant 256 : i32
    %dma_start3A_98 = arith.constant 0 : i32
    %dma_start3A_99 = tpu.memref_slice %arg17[%dma_start3A_97, %dma_start3A_98] : memref<512x16xf32, #tpu.memory_space<vmem>> -> memref<128x16xf32, #tpu.memory_space<vmem>>
    %dma_start3A_100 = arith.constant 256 : i32
    %dma_start3A_101 = tpu.memref_slice %arg13[%dma_start3A_100] : memref<512xi32, #tpu.memory_space<vmem>> -> memref<128xi32, #tpu.memory_space<vmem>>
    %dma_start3A_102 = arith.constant 0 : i32
    %dma_start3A_103 = arith.constant 0 : i32
    %dma_start3A_104 = tpu.memref_slice %arg7[%dma_start3A_102, %dma_start3A_103] : memref<1000000x16xf32, #tpu.memory_space<hbm>> -> memref<1000000x16xf32, #tpu.memory_space<hbm>>
    tpu.enqueue_indirect_dma source(%dma_start3A_104 : memref<1000000x16xf32, #tpu.memory_space<hbm>>) target(%dma_start3A_99 : memref<128x16xf32, #tpu.memory_space<vmem>>) offsets(%dma_start3A_101 : memref<128xi32, #tpu.memory_space<vmem>>) semaphore(%arg22 : memref<!tpu.dma_semaphore, #tpu.memory_space<semaphore_mem>>)
    %dma_start3A_105 = arith.constant 256 : i32
    %dma_start3A_106 = arith.constant 0 : i32
    %dma_start3A_107 = tpu.memref_slice %arg18[%dma_start3A_105, %dma_start3A_106] : memref<512x16xf32, #tpu.memory_space<vmem>> -> memref<128x16xf32, #tpu.memory_space<vmem>>
    %dma_start3A_108 = arith.constant 256 : i32
    %dma_start3A_109 = tpu.memref_slice %arg14[%dma_start3A_108] : memref<512xi32, #tpu.memory_space<vmem>> -> memref<128xi32, #tpu.memory_space<vmem>>
    %dma_start3A_110 = arith.constant 0 : i32
    %dma_start3A_111 = arith.constant 0 : i32
    %dma_start3A_112 = tpu.memref_slice %arg7[%dma_start3A_110, %dma_start3A_111] : memref<1000000x16xf32, #tpu.memory_space<hbm>> -> memref<1000000x16xf32, #tpu.memory_space<hbm>>
    tpu.enqueue_indirect_dma source(%dma_start3A_112 : memref<1000000x16xf32, #tpu.memory_space<hbm>>) target(%dma_start3A_107 : memref<128x16xf32, #tpu.memory_space<vmem>>) offsets(%dma_start3A_109 : memref<128xi32, #tpu.memory_space<vmem>>) semaphore(%arg22 : memref<!tpu.dma_semaphore, #tpu.memory_space<semaphore_mem>>)
    %dma_start3A_113 = arith.constant 384 : i32
    %dma_start3A_114 = arith.constant 0 : i32
    %dma_start3A_115 = tpu.memref_slice %arg15[%dma_start3A_113, %dma_start3A_114] : memref<512x16xf32, #tpu.memory_space<vmem>> -> memref<128x16xf32, #tpu.memory_space<vmem>>
    %dma_start3A_116 = arith.constant 384 : i32
    %dma_start3A_117 = tpu.memref_slice %arg11[%dma_start3A_116] : memref<512xi32, #tpu.memory_space<vmem>> -> memref<128xi32, #tpu.memory_space<vmem>>
    %dma_start3A_118 = arith.constant 0 : i32
    %dma_start3A_119 = arith.constant 0 : i32
    %dma_start3A_120 = tpu.memref_slice %arg6[%dma_start3A_118, %dma_start3A_119] : memref<1000000x16xf32, #tpu.memory_space<hbm>> -> memref<1000000x16xf32, #tpu.memory_space<hbm>>
    tpu.enqueue_indirect_dma source(%dma_start3A_120 : memref<1000000x16xf32, #tpu.memory_space<hbm>>) target(%dma_start3A_115 : memref<128x16xf32, #tpu.memory_space<vmem>>) offsets(%dma_start3A_117 : memref<128xi32, #tpu.memory_space<vmem>>) semaphore(%arg22 : memref<!tpu.dma_semaphore, #tpu.memory_space<semaphore_mem>>)
    %dma_start3A_121 = arith.constant 384 : i32
    %dma_start3A_122 = arith.constant 0 : i32
    %dma_start3A_123 = tpu.memref_slice %arg16[%dma_start3A_121, %dma_start3A_122] : memref<512x16xf32, #tpu.memory_space<vmem>> -> memref<128x16xf32, #tpu.memory_space<vmem>>
    %dma_start3A_124 = arith.constant 384 : i32
    %dma_start3A_125 = tpu.memref_slice %arg12[%dma_start3A_124] : memref<512xi32, #tpu.memory_space<vmem>> -> memref<128xi32, #tpu.memory_space<vmem>>
    %dma_start3A_126 = arith.constant 0 : i32
    %dma_start3A_127 = arith.constant 0 : i32
    %dma_start3A_128 = tpu.memref_slice %arg7[%dma_start3A_126, %dma_start3A_127] : memref<1000000x16xf32, #tpu.memory_space<hbm>> -> memref<1000000x16xf32, #tpu.memory_space<hbm>>
    tpu.enqueue_indirect_dma source(%dma_start3A_128 : memref<1000000x16xf32, #tpu.memory_space<hbm>>) target(%dma_start3A_123 : memref<128x16xf32, #tpu.memory_space<vmem>>) offsets(%dma_start3A_125 : memref<128xi32, #tpu.memory_space<vmem>>) semaphore(%arg22 : memref<!tpu.dma_semaphore, #tpu.memory_space<semaphore_mem>>)
    %dma_start3A_129 = arith.constant 384 : i32
    %dma_start3A_130 = arith.constant 0 : i32
    %dma_start3A_131 = tpu.memref_slice %arg17[%dma_start3A_129, %dma_start3A_130] : memref<512x16xf32, #tpu.memory_space<vmem>> -> memref<128x16xf32, #tpu.memory_space<vmem>>
    %dma_start3A_132 = arith.constant 384 : i32
    %dma_start3A_133 = tpu.memref_slice %arg13[%dma_start3A_132] : memref<512xi32, #tpu.memory_space<vmem>> -> memref<128xi32, #tpu.memory_space<vmem>>
    %dma_start3A_134 = arith.constant 0 : i32
    %dma_start3A_135 = arith.constant 0 : i32
    %dma_start3A_136 = tpu.memref_slice %arg7[%dma_start3A_134, %dma_start3A_135] : memref<1000000x16xf32, #tpu.memory_space<hbm>> -> memref<1000000x16xf32, #tpu.memory_space<hbm>>
    tpu.enqueue_indirect_dma source(%dma_start3A_136 : memref<1000000x16xf32, #tpu.memory_space<hbm>>) target(%dma_start3A_131 : memref<128x16xf32, #tpu.memory_space<vmem>>) offsets(%dma_start3A_133 : memref<128xi32, #tpu.memory_space<vmem>>) semaphore(%arg22 : memref<!tpu.dma_semaphore, #tpu.memory_space<semaphore_mem>>)
    %dma_start3A_137 = arith.constant 384 : i32
    %dma_start3A_138 = arith.constant 0 : i32
    %dma_start3A_139 = tpu.memref_slice %arg18[%dma_start3A_137, %dma_start3A_138] : memref<512x16xf32, #tpu.memory_space<vmem>> -> memref<128x16xf32, #tpu.memory_space<vmem>>
    %dma_start3A_140 = arith.constant 384 : i32
    %dma_start3A_141 = tpu.memref_slice %arg14[%dma_start3A_140] : memref<512xi32, #tpu.memory_space<vmem>> -> memref<128xi32, #tpu.memory_space<vmem>>
    %dma_start3A_142 = arith.constant 0 : i32
    %dma_start3A_143 = arith.constant 0 : i32
    %dma_start3A_144 = tpu.memref_slice %arg7[%dma_start3A_142, %dma_start3A_143] : memref<1000000x16xf32, #tpu.memory_space<hbm>> -> memref<1000000x16xf32, #tpu.memory_space<hbm>>
    tpu.enqueue_indirect_dma source(%dma_start3A_144 : memref<1000000x16xf32, #tpu.memory_space<hbm>>) target(%dma_start3A_139 : memref<128x16xf32, #tpu.memory_space<vmem>>) offsets(%dma_start3A_141 : memref<128xi32, #tpu.memory_space<vmem>>) semaphore(%arg22 : memref<!tpu.dma_semaphore, #tpu.memory_space<semaphore_mem>>)
    %dma_wait3A_145 = arith.constant 0 : i32
    %dma_wait3A_146 = arith.constant 0 : i32
    %dma_wait3A_147 = tpu.memref_slice %arg15[%dma_wait3A_145, %dma_wait3A_146] : memref<512x16xf32, #tpu.memory_space<vmem>> -> memref<128x16xf32, #tpu.memory_space<vmem>>
    %dma_wait3A_148 = arith.constant 0 : i32
    %dma_wait3A_149 = tpu.memref_slice %arg11[%dma_wait3A_148] : memref<512xi32, #tpu.memory_space<vmem>> -> memref<128xi32, #tpu.memory_space<vmem>>
    %dma_wait3A_150 = arith.constant 0 : i32
    %dma_wait3A_151 = arith.constant 0 : i32
    %dma_wait3A_152 = tpu.memref_slice %arg6[%dma_wait3A_150, %dma_wait3A_151] : memref<1000000x16xf32, #tpu.memory_space<hbm>> -> memref<1000000x16xf32, #tpu.memory_space<hbm>>
    tpu.wait_indirect_dma semaphore(%arg22 : memref<!tpu.dma_semaphore, #tpu.memory_space<semaphore_mem>>) src(%dma_wait3A_152 : memref<1000000x16xf32, #tpu.memory_space<hbm>>) dst(%dma_wait3A_147 : memref<128x16xf32, #tpu.memory_space<vmem>>)
    %dma_wait3A_153 = arith.constant 0 : i32
    %dma_wait3A_154 = arith.constant 0 : i32
    %dma_wait3A_155 = tpu.memref_slice %arg16[%dma_wait3A_153, %dma_wait3A_154] : memref<512x16xf32, #tpu.memory_space<vmem>> -> memref<128x16xf32, #tpu.memory_space<vmem>>
    %dma_wait3A_156 = arith.constant 0 : i32
    %dma_wait3A_157 = tpu.memref_slice %arg12[%dma_wait3A_156] : memref<512xi32, #tpu.memory_space<vmem>> -> memref<128xi32, #tpu.memory_space<vmem>>
    %dma_wait3A_158 = arith.constant 0 : i32
    %dma_wait3A_159 = arith.constant 0 : i32
    %dma_wait3A_160 = tpu.memref_slice %arg7[%dma_wait3A_158, %dma_wait3A_159] : memref<1000000x16xf32, #tpu.memory_space<hbm>> -> memref<1000000x16xf32, #tpu.memory_space<hbm>>
    tpu.wait_indirect_dma semaphore(%arg22 : memref<!tpu.dma_semaphore, #tpu.memory_space<semaphore_mem>>) src(%dma_wait3A_160 : memref<1000000x16xf32, #tpu.memory_space<hbm>>) dst(%dma_wait3A_155 : memref<128x16xf32, #tpu.memory_space<vmem>>)
    %dma_wait3A_161 = arith.constant 0 : i32
    %dma_wait3A_162 = arith.constant 0 : i32
    %dma_wait3A_163 = tpu.memref_slice %arg17[%dma_wait3A_161, %dma_wait3A_162] : memref<512x16xf32, #tpu.memory_space<vmem>> -> memref<128x16xf32, #tpu.memory_space<vmem>>
    %dma_wait3A_164 = arith.constant 0 : i32
    %dma_wait3A_165 = tpu.memref_slice %arg13[%dma_wait3A_164] : memref<512xi32, #tpu.memory_space<vmem>> -> memref<128xi32, #tpu.memory_space<vmem>>
    %dma_wait3A_166 = arith.constant 0 : i32
    %dma_wait3A_167 = arith.constant 0 : i32
    %dma_wait3A_168 = tpu.memref_slice %arg7[%dma_wait3A_166, %dma_wait3A_167] : memref<1000000x16xf32, #tpu.memory_space<hbm>> -> memref<1000000x16xf32, #tpu.memory_space<hbm>>
    tpu.wait_indirect_dma semaphore(%arg22 : memref<!tpu.dma_semaphore, #tpu.memory_space<semaphore_mem>>) src(%dma_wait3A_168 : memref<1000000x16xf32, #tpu.memory_space<hbm>>) dst(%dma_wait3A_163 : memref<128x16xf32, #tpu.memory_space<vmem>>)
    %dma_wait3A_169 = arith.constant 0 : i32
    %dma_wait3A_170 = arith.constant 0 : i32
    %dma_wait3A_171 = tpu.memref_slice %arg18[%dma_wait3A_169, %dma_wait3A_170] : memref<512x16xf32, #tpu.memory_space<vmem>> -> memref<128x16xf32, #tpu.memory_space<vmem>>
    %dma_wait3A_172 = arith.constant 0 : i32
    %dma_wait3A_173 = tpu.memref_slice %arg14[%dma_wait3A_172] : memref<512xi32, #tpu.memory_space<vmem>> -> memref<128xi32, #tpu.memory_space<vmem>>
    %dma_wait3A_174 = arith.constant 0 : i32
    %dma_wait3A_175 = arith.constant 0 : i32
    %dma_wait3A_176 = tpu.memref_slice %arg7[%dma_wait3A_174, %dma_wait3A_175] : memref<1000000x16xf32, #tpu.memory_space<hbm>> -> memref<1000000x16xf32, #tpu.memory_space<hbm>>
    tpu.wait_indirect_dma semaphore(%arg22 : memref<!tpu.dma_semaphore, #tpu.memory_space<semaphore_mem>>) src(%dma_wait3A_176 : memref<1000000x16xf32, #tpu.memory_space<hbm>>) dst(%dma_wait3A_171 : memref<128x16xf32, #tpu.memory_space<vmem>>)
    %dma_wait3A_177 = arith.constant 128 : i32
    %dma_wait3A_178 = arith.constant 0 : i32
    %dma_wait3A_179 = tpu.memref_slice %arg15[%dma_wait3A_177, %dma_wait3A_178] : memref<512x16xf32, #tpu.memory_space<vmem>> -> memref<128x16xf32, #tpu.memory_space<vmem>>
    %dma_wait3A_180 = arith.constant 128 : i32
    %dma_wait3A_181 = tpu.memref_slice %arg11[%dma_wait3A_180] : memref<512xi32, #tpu.memory_space<vmem>> -> memref<128xi32, #tpu.memory_space<vmem>>
    %dma_wait3A_182 = arith.constant 0 : i32
    %dma_wait3A_183 = arith.constant 0 : i32
    %dma_wait3A_184 = tpu.memref_slice %arg6[%dma_wait3A_182, %dma_wait3A_183] : memref<1000000x16xf32, #tpu.memory_space<hbm>> -> memref<1000000x16xf32, #tpu.memory_space<hbm>>
    tpu.wait_indirect_dma semaphore(%arg22 : memref<!tpu.dma_semaphore, #tpu.memory_space<semaphore_mem>>) src(%dma_wait3A_184 : memref<1000000x16xf32, #tpu.memory_space<hbm>>) dst(%dma_wait3A_179 : memref<128x16xf32, #tpu.memory_space<vmem>>)
    %dma_wait3A_185 = arith.constant 128 : i32
    %dma_wait3A_186 = arith.constant 0 : i32
    %dma_wait3A_187 = tpu.memref_slice %arg16[%dma_wait3A_185, %dma_wait3A_186] : memref<512x16xf32, #tpu.memory_space<vmem>> -> memref<128x16xf32, #tpu.memory_space<vmem>>
    %dma_wait3A_188 = arith.constant 128 : i32
    %dma_wait3A_189 = tpu.memref_slice %arg12[%dma_wait3A_188] : memref<512xi32, #tpu.memory_space<vmem>> -> memref<128xi32, #tpu.memory_space<vmem>>
    %dma_wait3A_190 = arith.constant 0 : i32
    %dma_wait3A_191 = arith.constant 0 : i32
    %dma_wait3A_192 = tpu.memref_slice %arg7[%dma_wait3A_190, %dma_wait3A_191] : memref<1000000x16xf32, #tpu.memory_space<hbm>> -> memref<1000000x16xf32, #tpu.memory_space<hbm>>
    tpu.wait_indirect_dma semaphore(%arg22 : memref<!tpu.dma_semaphore, #tpu.memory_space<semaphore_mem>>) src(%dma_wait3A_192 : memref<1000000x16xf32, #tpu.memory_space<hbm>>) dst(%dma_wait3A_187 : memref<128x16xf32, #tpu.memory_space<vmem>>)
    %dma_wait3A_193 = arith.constant 128 : i32
    %dma_wait3A_194 = arith.constant 0 : i32
    %dma_wait3A_195 = tpu.memref_slice %arg17[%dma_wait3A_193, %dma_wait3A_194] : memref<512x16xf32, #tpu.memory_space<vmem>> -> memref<128x16xf32, #tpu.memory_space<vmem>>
    %dma_wait3A_196 = arith.constant 128 : i32
    %dma_wait3A_197 = tpu.memref_slice %arg13[%dma_wait3A_196] : memref<512xi32, #tpu.memory_space<vmem>> -> memref<128xi32, #tpu.memory_space<vmem>>
    %dma_wait3A_198 = arith.constant 0 : i32
    %dma_wait3A_199 = arith.constant 0 : i32
    %dma_wait3A_200 = tpu.memref_slice %arg7[%dma_wait3A_198, %dma_wait3A_199] : memref<1000000x16xf32, #tpu.memory_space<hbm>> -> memref<1000000x16xf32, #tpu.memory_space<hbm>>
    tpu.wait_indirect_dma semaphore(%arg22 : memref<!tpu.dma_semaphore, #tpu.memory_space<semaphore_mem>>) src(%dma_wait3A_200 : memref<1000000x16xf32, #tpu.memory_space<hbm>>) dst(%dma_wait3A_195 : memref<128x16xf32, #tpu.memory_space<vmem>>)
    %dma_wait3A_201 = arith.constant 128 : i32
    %dma_wait3A_202 = arith.constant 0 : i32
    %dma_wait3A_203 = tpu.memref_slice %arg18[%dma_wait3A_201, %dma_wait3A_202] : memref<512x16xf32, #tpu.memory_space<vmem>> -> memref<128x16xf32, #tpu.memory_space<vmem>>
    %dma_wait3A_204 = arith.constant 128 : i32
    %dma_wait3A_205 = tpu.memref_slice %arg14[%dma_wait3A_204] : memref<512xi32, #tpu.memory_space<vmem>> -> memref<128xi32, #tpu.memory_space<vmem>>
    %dma_wait3A_206 = arith.constant 0 : i32
    %dma_wait3A_207 = arith.constant 0 : i32
    %dma_wait3A_208 = tpu.memref_slice %arg7[%dma_wait3A_206, %dma_wait3A_207] : memref<1000000x16xf32, #tpu.memory_space<hbm>> -> memref<1000000x16xf32, #tpu.memory_space<hbm>>
    tpu.wait_indirect_dma semaphore(%arg22 : memref<!tpu.dma_semaphore, #tpu.memory_space<semaphore_mem>>) src(%dma_wait3A_208 : memref<1000000x16xf32, #tpu.memory_space<hbm>>) dst(%dma_wait3A_203 : memref<128x16xf32, #tpu.memory_space<vmem>>)
    %dma_wait3A_209 = arith.constant 256 : i32
    %dma_wait3A_210 = arith.constant 0 : i32
    %dma_wait3A_211 = tpu.memref_slice %arg15[%dma_wait3A_209, %dma_wait3A_210] : memref<512x16xf32, #tpu.memory_space<vmem>> -> memref<128x16xf32, #tpu.memory_space<vmem>>
    %dma_wait3A_212 = arith.constant 256 : i32
    %dma_wait3A_213 = tpu.memref_slice %arg11[%dma_wait3A_212] : memref<512xi32, #tpu.memory_space<vmem>> -> memref<128xi32, #tpu.memory_space<vmem>>
    %dma_wait3A_214 = arith.constant 0 : i32
    %dma_wait3A_215 = arith.constant 0 : i32
    %dma_wait3A_216 = tpu.memref_slice %arg6[%dma_wait3A_214, %dma_wait3A_215] : memref<1000000x16xf32, #tpu.memory_space<hbm>> -> memref<1000000x16xf32, #tpu.memory_space<hbm>>
    tpu.wait_indirect_dma semaphore(%arg22 : memref<!tpu.dma_semaphore, #tpu.memory_space<semaphore_mem>>) src(%dma_wait3A_216 : memref<1000000x16xf32, #tpu.memory_space<hbm>>) dst(%dma_wait3A_211 : memref<128x16xf32, #tpu.memory_space<vmem>>)
    %dma_wait3A_217 = arith.constant 256 : i32
    %dma_wait3A_218 = arith.constant 0 : i32
    %dma_wait3A_219 = tpu.memref_slice %arg16[%dma_wait3A_217, %dma_wait3A_218] : memref<512x16xf32, #tpu.memory_space<vmem>> -> memref<128x16xf32, #tpu.memory_space<vmem>>
    %dma_wait3A_220 = arith.constant 256 : i32
    %dma_wait3A_221 = tpu.memref_slice %arg12[%dma_wait3A_220] : memref<512xi32, #tpu.memory_space<vmem>> -> memref<128xi32, #tpu.memory_space<vmem>>
    %dma_wait3A_222 = arith.constant 0 : i32
    %dma_wait3A_223 = arith.constant 0 : i32
    %dma_wait3A_224 = tpu.memref_slice %arg7[%dma_wait3A_222, %dma_wait3A_223] : memref<1000000x16xf32, #tpu.memory_space<hbm>> -> memref<1000000x16xf32, #tpu.memory_space<hbm>>
    tpu.wait_indirect_dma semaphore(%arg22 : memref<!tpu.dma_semaphore, #tpu.memory_space<semaphore_mem>>) src(%dma_wait3A_224 : memref<1000000x16xf32, #tpu.memory_space<hbm>>) dst(%dma_wait3A_219 : memref<128x16xf32, #tpu.memory_space<vmem>>)
    %dma_wait3A_225 = arith.constant 256 : i32
    %dma_wait3A_226 = arith.constant 0 : i32
    %dma_wait3A_227 = tpu.memref_slice %arg17[%dma_wait3A_225, %dma_wait3A_226] : memref<512x16xf32, #tpu.memory_space<vmem>> -> memref<128x16xf32, #tpu.memory_space<vmem>>
    %dma_wait3A_228 = arith.constant 256 : i32
    %dma_wait3A_229 = tpu.memref_slice %arg13[%dma_wait3A_228] : memref<512xi32, #tpu.memory_space<vmem>> -> memref<128xi32, #tpu.memory_space<vmem>>
    %dma_wait3A_230 = arith.constant 0 : i32
    %dma_wait3A_231 = arith.constant 0 : i32
    %dma_wait3A_232 = tpu.memref_slice %arg7[%dma_wait3A_230, %dma_wait3A_231] : memref<1000000x16xf32, #tpu.memory_space<hbm>> -> memref<1000000x16xf32, #tpu.memory_space<hbm>>
    tpu.wait_indirect_dma semaphore(%arg22 : memref<!tpu.dma_semaphore, #tpu.memory_space<semaphore_mem>>) src(%dma_wait3A_232 : memref<1000000x16xf32, #tpu.memory_space<hbm>>) dst(%dma_wait3A_227 : memref<128x16xf32, #tpu.memory_space<vmem>>)
    %dma_wait3A_233 = arith.constant 256 : i32
    %dma_wait3A_234 = arith.constant 0 : i32
    %dma_wait3A_235 = tpu.memref_slice %arg18[%dma_wait3A_233, %dma_wait3A_234] : memref<512x16xf32, #tpu.memory_space<vmem>> -> memref<128x16xf32, #tpu.memory_space<vmem>>
    %dma_wait3A_236 = arith.constant 256 : i32
    %dma_wait3A_237 = tpu.memref_slice %arg14[%dma_wait3A_236] : memref<512xi32, #tpu.memory_space<vmem>> -> memref<128xi32, #tpu.memory_space<vmem>>
    %dma_wait3A_238 = arith.constant 0 : i32
    %dma_wait3A_239 = arith.constant 0 : i32
    %dma_wait3A_240 = tpu.memref_slice %arg7[%dma_wait3A_238, %dma_wait3A_239] : memref<1000000x16xf32, #tpu.memory_space<hbm>> -> memref<1000000x16xf32, #tpu.memory_space<hbm>>
    tpu.wait_indirect_dma semaphore(%arg22 : memref<!tpu.dma_semaphore, #tpu.memory_space<semaphore_mem>>) src(%dma_wait3A_240 : memref<1000000x16xf32, #tpu.memory_space<hbm>>) dst(%dma_wait3A_235 : memref<128x16xf32, #tpu.memory_space<vmem>>)
    %dma_wait3A_241 = arith.constant 384 : i32
    %dma_wait3A_242 = arith.constant 0 : i32
    %dma_wait3A_243 = tpu.memref_slice %arg15[%dma_wait3A_241, %dma_wait3A_242] : memref<512x16xf32, #tpu.memory_space<vmem>> -> memref<128x16xf32, #tpu.memory_space<vmem>>
    %dma_wait3A_244 = arith.constant 384 : i32
    %dma_wait3A_245 = tpu.memref_slice %arg11[%dma_wait3A_244] : memref<512xi32, #tpu.memory_space<vmem>> -> memref<128xi32, #tpu.memory_space<vmem>>
    %dma_wait3A_246 = arith.constant 0 : i32
    %dma_wait3A_247 = arith.constant 0 : i32
    %dma_wait3A_248 = tpu.memref_slice %arg6[%dma_wait3A_246, %dma_wait3A_247] : memref<1000000x16xf32, #tpu.memory_space<hbm>> -> memref<1000000x16xf32, #tpu.memory_space<hbm>>
    tpu.wait_indirect_dma semaphore(%arg22 : memref<!tpu.dma_semaphore, #tpu.memory_space<semaphore_mem>>) src(%dma_wait3A_248 : memref<1000000x16xf32, #tpu.memory_space<hbm>>) dst(%dma_wait3A_243 : memref<128x16xf32, #tpu.memory_space<vmem>>)
    %dma_wait3A_249 = arith.constant 384 : i32
    %dma_wait3A_250 = arith.constant 0 : i32
    %dma_wait3A_251 = tpu.memref_slice %arg16[%dma_wait3A_249, %dma_wait3A_250] : memref<512x16xf32, #tpu.memory_space<vmem>> -> memref<128x16xf32, #tpu.memory_space<vmem>>
    %dma_wait3A_252 = arith.constant 384 : i32
    %dma_wait3A_253 = tpu.memref_slice %arg12[%dma_wait3A_252] : memref<512xi32, #tpu.memory_space<vmem>> -> memref<128xi32, #tpu.memory_space<vmem>>
    %dma_wait3A_254 = arith.constant 0 : i32
    %dma_wait3A_255 = arith.constant 0 : i32
    %dma_wait3A_256 = tpu.memref_slice %arg7[%dma_wait3A_254, %dma_wait3A_255] : memref<1000000x16xf32, #tpu.memory_space<hbm>> -> memref<1000000x16xf32, #tpu.memory_space<hbm>>
    tpu.wait_indirect_dma semaphore(%arg22 : memref<!tpu.dma_semaphore, #tpu.memory_space<semaphore_mem>>) src(%dma_wait3A_256 : memref<1000000x16xf32, #tpu.memory_space<hbm>>) dst(%dma_wait3A_251 : memref<128x16xf32, #tpu.memory_space<vmem>>)
    %dma_wait3A_257 = arith.constant 384 : i32
    %dma_wait3A_258 = arith.constant 0 : i32
    %dma_wait3A_259 = tpu.memref_slice %arg17[%dma_wait3A_257, %dma_wait3A_258] : memref<512x16xf32, #tpu.memory_space<vmem>> -> memref<128x16xf32, #tpu.memory_space<vmem>>
    %dma_wait3A_260 = arith.constant 384 : i32
    %dma_wait3A_261 = tpu.memref_slice %arg13[%dma_wait3A_260] : memref<512xi32, #tpu.memory_space<vmem>> -> memref<128xi32, #tpu.memory_space<vmem>>
    %dma_wait3A_262 = arith.constant 0 : i32
    %dma_wait3A_263 = arith.constant 0 : i32
    %dma_wait3A_264 = tpu.memref_slice %arg7[%dma_wait3A_262, %dma_wait3A_263] : memref<1000000x16xf32, #tpu.memory_space<hbm>> -> memref<1000000x16xf32, #tpu.memory_space<hbm>>
    tpu.wait_indirect_dma semaphore(%arg22 : memref<!tpu.dma_semaphore, #tpu.memory_space<semaphore_mem>>) src(%dma_wait3A_264 : memref<1000000x16xf32, #tpu.memory_space<hbm>>) dst(%dma_wait3A_259 : memref<128x16xf32, #tpu.memory_space<vmem>>)
    %dma_wait3A_265 = arith.constant 384 : i32
    %dma_wait3A_266 = arith.constant 0 : i32
    %dma_wait3A_267 = tpu.memref_slice %arg18[%dma_wait3A_265, %dma_wait3A_266] : memref<512x16xf32, #tpu.memory_space<vmem>> -> memref<128x16xf32, #tpu.memory_space<vmem>>
    %dma_wait3A_268 = arith.constant 384 : i32
    %dma_wait3A_269 = tpu.memref_slice %arg14[%dma_wait3A_268] : memref<512xi32, #tpu.memory_space<vmem>> -> memref<128xi32, #tpu.memory_space<vmem>>
    %dma_wait3A_270 = arith.constant 0 : i32
    %dma_wait3A_271 = arith.constant 0 : i32
    %dma_wait3A_272 = tpu.memref_slice %arg7[%dma_wait3A_270, %dma_wait3A_271] : memref<1000000x16xf32, #tpu.memory_space<hbm>> -> memref<1000000x16xf32, #tpu.memory_space<hbm>>
    tpu.wait_indirect_dma semaphore(%arg22 : memref<!tpu.dma_semaphore, #tpu.memory_space<semaphore_mem>>) src(%dma_wait3A_272 : memref<1000000x16xf32, #tpu.memory_space<hbm>>) dst(%dma_wait3A_267 : memref<128x16xf32, #tpu.memory_space<vmem>>)
    %iota3A = tpu.iota {dimensions = array<i32: 0>} : vector<16xi32>
    %broadcast_in_dim3A = arith.constant 0.000000e+00 : f32
    %broadcast_in_dim3A_273 = vector.broadcast %broadcast_in_dim3A : f32 to vector<16xf32>
    %scan3A = arith.constant 0 : i32
    %scan3A_274 = arith.constant 1.600000e-11 : f32
    %scan3A_275 = arith.constant 9.99999997E-7 : f32
    %scan3A_276 = arith.constant 0 : i32
    %scan3A_277 = arith.constant 32 : i32
    %scan3A_278 = arith.addi %scan3A_276, %scan3A_277 : i32
    %scan3A_279 = arith.constant 1 : i32
    scf.for %scan3A_281 = %scan3A_276 to %scan3A_278 step %scan3A_279  : i32 {
      %mul3A_282 = arith.constant 16 : i32
      %mul3A_283 = arith.muli %scan3A_281, %mul3A_282 : i32
      %add3A_284 = vector.broadcast %mul3A_283 : i32 to vector<16xi32>
      %add3A_285 = arith.addi %add3A_284, %iota3A : vector<16xi32>
      %broadcast_in_dim3A_286 = arith.constant 0 : i32
      %broadcast_in_dim3A_287 = vector.broadcast %broadcast_in_dim3A_286 : i32 to vector<16xi32>
      %gather3A = tpu.vector_load_idx %arg15[%add3A_285, %broadcast_in_dim3A_287] : memref<512x16xf32, #tpu.memory_space<vmem>>[vector<16xi32>, vector<16xi32>], vector<16xf32>,
      %gather3A_288 = tpu.vector_load_idx %arg16[%add3A_285, %broadcast_in_dim3A_287] : memref<512x16xf32, #tpu.memory_space<vmem>>[vector<16xi32>, vector<16xi32>], vector<16xf32>,
      %gather3A_289 = tpu.vector_load_idx %arg17[%add3A_285, %broadcast_in_dim3A_287] : memref<512x16xf32, #tpu.memory_space<vmem>>[vector<16xi32>, vector<16xi32>], vector<16xf32>,
      %gather3A_290 = tpu.vector_load_idx %arg18[%add3A_285, %broadcast_in_dim3A_287] : memref<512x16xf32, #tpu.memory_space<vmem>>[vector<16xi32>, vector<16xi32>], vector<16xf32>,
      %mul3A_291 = arith.mulf %gather3A, %gather3A : vector<16xf32>
      %add3A_292 = arith.addf %broadcast_in_dim3A_273, %mul3A_291 : vector<16xf32>
      %mul3A_293 = arith.mulf %gather3A_288, %gather3A_288 : vector<16xf32>
      %add3A_294 = arith.addf %broadcast_in_dim3A_273, %mul3A_293 : vector<16xf32>
      %mul3A_295 = arith.mulf %gather3A_289, %gather3A_289 : vector<16xf32>
      %add3A_296 = arith.addf %broadcast_in_dim3A_273, %mul3A_295 : vector<16xf32>
      %mul3A_297 = arith.mulf %gather3A_290, %gather3A_290 : vector<16xf32>
      %add3A_298 = arith.addf %broadcast_in_dim3A_273, %mul3A_297 : vector<16xf32>
      %add3A_299 = arith.addf %broadcast_in_dim3A_273, %gather3A : vector<16xf32>
      %add3A_300 = arith.addf %broadcast_in_dim3A_273, %gather3A_288 : vector<16xf32>
      %add3A_301 = arith.addf %broadcast_in_dim3A_273, %gather3A_289 : vector<16xf32>
      %add3A_302 = arith.addf %broadcast_in_dim3A_273, %gather3A_290 : vector<16xf32>
      %mul3A_303 = arith.mulf %gather3A, %gather3A_288 : vector<16xf32>
      %add3A_304 = arith.addf %broadcast_in_dim3A_273, %mul3A_303 : vector<16xf32>
      %mul3A_305 = arith.mulf %gather3A, %gather3A_289 : vector<16xf32>
      %add3A_306 = arith.addf %broadcast_in_dim3A_273, %mul3A_305 : vector<16xf32>
      %mul3A_307 = arith.mulf %gather3A, %gather3A_290 : vector<16xf32>
      %add3A_308 = arith.addf %broadcast_in_dim3A_273, %mul3A_307 : vector<16xf32>
      %broadcast_in_dim3A_309 = arith.constant 1 : i32
      %broadcast_in_dim3A_310 = vector.broadcast %broadcast_in_dim3A_309 : i32 to vector<16xi32>
      %gather3A_311 = tpu.vector_load_idx %arg15[%add3A_285, %broadcast_in_dim3A_310] : memref<512x16xf32, #tpu.memory_space<vmem>>[vector<16xi32>, vector<16xi32>], vector<16xf32>,
      %gather3A_312 = tpu.vector_load_idx %arg16[%add3A_285, %broadcast_in_dim3A_310] : memref<512x16xf32, #tpu.memory_space<vmem>>[vector<16xi32>, vector<16xi32>], vector<16xf32>,
      %gather3A_313 = tpu.vector_load_idx %arg17[%add3A_285, %broadcast_in_dim3A_310] : memref<512x16xf32, #tpu.memory_space<vmem>>[vector<16xi32>, vector<16xi32>], vector<16xf32>,
      %gather3A_314 = tpu.vector_load_idx %arg18[%add3A_285, %broadcast_in_dim3A_310] : memref<512x16xf32, #tpu.memory_space<vmem>>[vector<16xi32>, vector<16xi32>], vector<16xf32>,
      %mul3A_315 = arith.mulf %gather3A_311, %gather3A_311 : vector<16xf32>
      %add3A_316 = arith.addf %add3A_292, %mul3A_315 : vector<16xf32>
      %mul3A_317 = arith.mulf %gather3A_312, %gather3A_312 : vector<16xf32>
      %add3A_318 = arith.addf %add3A_294, %mul3A_317 : vector<16xf32>
      %mul3A_319 = arith.mulf %gather3A_313, %gather3A_313 : vector<16xf32>
      %add3A_320 = arith.addf %add3A_296, %mul3A_319 : vector<16xf32>
      %mul3A_321 = arith.mulf %gather3A_314, %gather3A_314 : vector<16xf32>
      %add3A_322 = arith.addf %add3A_298, %mul3A_321 : vector<16xf32>
      %add3A_323 = arith.addf %add3A_299, %gather3A_311 : vector<16xf32>
      %add3A_324 = arith.addf %add3A_300, %gather3A_312 : vector<16xf32>
      %add3A_325 = arith.addf %add3A_301, %gather3A_313 : vector<16xf32>
      %add3A_326 = arith.addf %add3A_302, %gather3A_314 : vector<16xf32>
      %mul3A_327 = arith.mulf %gather3A_311, %gather3A_312 : vector<16xf32>
      %add3A_328 = arith.addf %add3A_304, %mul3A_327 : vector<16xf32>
      %mul3A_329 = arith.mulf %gather3A_311, %gather3A_313 : vector<16xf32>
      %add3A_330 = arith.addf %add3A_306, %mul3A_329 : vector<16xf32>
      %mul3A_331 = arith.mulf %gather3A_311, %gather3A_314 : vector<16xf32>
      %add3A_332 = arith.addf %add3A_308, %mul3A_331 : vector<16xf32>
      %broadcast_in_dim3A_333 = arith.constant 2 : i32
      %broadcast_in_dim3A_334 = vector.broadcast %broadcast_in_dim3A_333 : i32 to vector<16xi32>
      %gather3A_335 = tpu.vector_load_idx %arg15[%add3A_285, %broadcast_in_dim3A_334] : memref<512x16xf32, #tpu.memory_space<vmem>>[vector<16xi32>, vector<16xi32>], vector<16xf32>,
      %gather3A_336 = tpu.vector_load_idx %arg16[%add3A_285, %broadcast_in_dim3A_334] : memref<512x16xf32, #tpu.memory_space<vmem>>[vector<16xi32>, vector<16xi32>], vector<16xf32>,
      %gather3A_337 = tpu.vector_load_idx %arg17[%add3A_285, %broadcast_in_dim3A_334] : memref<512x16xf32, #tpu.memory_space<vmem>>[vector<16xi32>, vector<16xi32>], vector<16xf32>,
      %gather3A_338 = tpu.vector_load_idx %arg18[%add3A_285, %broadcast_in_dim3A_334] : memref<512x16xf32, #tpu.memory_space<vmem>>[vector<16xi32>, vector<16xi32>], vector<16xf32>,
      %mul3A_339 = arith.mulf %gather3A_335, %gather3A_335 : vector<16xf32>
      %add3A_340 = arith.addf %add3A_316, %mul3A_339 : vector<16xf32>
      %mul3A_341 = arith.mulf %gather3A_336, %gather3A_336 : vector<16xf32>
      %add3A_342 = arith.addf %add3A_318, %mul3A_341 : vector<16xf32>
      %mul3A_343 = arith.mulf %gather3A_337, %gather3A_337 : vector<16xf32>
      %add3A_344 = arith.addf %add3A_320, %mul3A_343 : vector<16xf32>
      %mul3A_345 = arith.mulf %gather3A_338, %gather3A_338 : vector<16xf32>
      %add3A_346 = arith.addf %add3A_322, %mul3A_345 : vector<16xf32>
      %add3A_347 = arith.addf %add3A_323, %gather3A_335 : vector<16xf32>
      %add3A_348 = arith.addf %add3A_324, %gather3A_336 : vector<16xf32>
      %add3A_349 = arith.addf %add3A_325, %gather3A_337 : vector<16xf32>
      %add3A_350 = arith.addf %add3A_326, %gather3A_338 : vector<16xf32>
      %mul3A_351 = arith.mulf %gather3A_335, %gather3A_336 : vector<16xf32>
      %add3A_352 = arith.addf %add3A_328, %mul3A_351 : vector<16xf32>
      %mul3A_353 = arith.mulf %gather3A_335, %gather3A_337 : vector<16xf32>
      %add3A_354 = arith.addf %add3A_330, %mul3A_353 : vector<16xf32>
      %mul3A_355 = arith.mulf %gather3A_335, %gather3A_338 : vector<16xf32>
      %add3A_356 = arith.addf %add3A_332, %mul3A_355 : vector<16xf32>
      %broadcast_in_dim3A_357 = arith.constant 3 : i32
      %broadcast_in_dim3A_358 = vector.broadcast %broadcast_in_dim3A_357 : i32 to vector<16xi32>
      %gather3A_359 = tpu.vector_load_idx %arg15[%add3A_285, %broadcast_in_dim3A_358] : memref<512x16xf32, #tpu.memory_space<vmem>>[vector<16xi32>, vector<16xi32>], vector<16xf32>,
      %gather3A_360 = tpu.vector_load_idx %arg16[%add3A_285, %broadcast_in_dim3A_358] : memref<512x16xf32, #tpu.memory_space<vmem>>[vector<16xi32>, vector<16xi32>], vector<16xf32>,
      %gather3A_361 = tpu.vector_load_idx %arg17[%add3A_285, %broadcast_in_dim3A_358] : memref<512x16xf32, #tpu.memory_space<vmem>>[vector<16xi32>, vector<16xi32>], vector<16xf32>,
      %gather3A_362 = tpu.vector_load_idx %arg18[%add3A_285, %broadcast_in_dim3A_358] : memref<512x16xf32, #tpu.memory_space<vmem>>[vector<16xi32>, vector<16xi32>], vector<16xf32>,
      %mul3A_363 = arith.mulf %gather3A_359, %gather3A_359 : vector<16xf32>
      %add3A_364 = arith.addf %add3A_340, %mul3A_363 : vector<16xf32>
      %mul3A_365 = arith.mulf %gather3A_360, %gather3A_360 : vector<16xf32>
      %add3A_366 = arith.addf %add3A_342, %mul3A_365 : vector<16xf32>
      %mul3A_367 = arith.mulf %gather3A_361, %gather3A_361 : vector<16xf32>
      %add3A_368 = arith.addf %add3A_344, %mul3A_367 : vector<16xf32>
      %mul3A_369 = arith.mulf %gather3A_362, %gather3A_362 : vector<16xf32>
      %add3A_370 = arith.addf %add3A_346, %mul3A_369 : vector<16xf32>
      %add3A_371 = arith.addf %add3A_347, %gather3A_359 : vector<16xf32>
      %add3A_372 = arith.addf %add3A_348, %gather3A_360 : vector<16xf32>
      %add3A_373 = arith.addf %add3A_349, %gather3A_361 : vector<16xf32>
      %add3A_374 = arith.addf %add3A_350, %gather3A_362 : vector<16xf32>
      %mul3A_375 = arith.mulf %gather3A_359, %gather3A_360 : vector<16xf32>
      %add3A_376 = arith.addf %add3A_352, %mul3A_375 : vector<16xf32>
      %mul3A_377 = arith.mulf %gather3A_359, %gather3A_361 : vector<16xf32>
      %add3A_378 = arith.addf %add3A_354, %mul3A_377 : vector<16xf32>
      %mul3A_379 = arith.mulf %gather3A_359, %gather3A_362 : vector<16xf32>
      %add3A_380 = arith.addf %add3A_356, %mul3A_379 : vector<16xf32>
      %broadcast_in_dim3A_381 = arith.constant 4 : i32
      %broadcast_in_dim3A_382 = vector.broadcast %broadcast_in_dim3A_381 : i32 to vector<16xi32>
      %gather3A_383 = tpu.vector_load_idx %arg15[%add3A_285, %broadcast_in_dim3A_382] : memref<512x16xf32, #tpu.memory_space<vmem>>[vector<16xi32>, vector<16xi32>], vector<16xf32>,
      %gather3A_384 = tpu.vector_load_idx %arg16[%add3A_285, %broadcast_in_dim3A_382] : memref<512x16xf32, #tpu.memory_space<vmem>>[vector<16xi32>, vector<16xi32>], vector<16xf32>,
      %gather3A_385 = tpu.vector_load_idx %arg17[%add3A_285, %broadcast_in_dim3A_382] : memref<512x16xf32, #tpu.memory_space<vmem>>[vector<16xi32>, vector<16xi32>], vector<16xf32>,
      %gather3A_386 = tpu.vector_load_idx %arg18[%add3A_285, %broadcast_in_dim3A_382] : memref<512x16xf32, #tpu.memory_space<vmem>>[vector<16xi32>, vector<16xi32>], vector<16xf32>,
      %mul3A_387 = arith.mulf %gather3A_383, %gather3A_383 : vector<16xf32>
      %add3A_388 = arith.addf %add3A_364, %mul3A_387 : vector<16xf32>
      %mul3A_389 = arith.mulf %gather3A_384, %gather3A_384 : vector<16xf32>
      %add3A_390 = arith.addf %add3A_366, %mul3A_389 : vector<16xf32>
      %mul3A_391 = arith.mulf %gather3A_385, %gather3A_385 : vector<16xf32>
      %add3A_392 = arith.addf %add3A_368, %mul3A_391 : vector<16xf32>
      %mul3A_393 = arith.mulf %gather3A_386, %gather3A_386 : vector<16xf32>
      %add3A_394 = arith.addf %add3A_370, %mul3A_393 : vector<16xf32>
      %add3A_395 = arith.addf %add3A_371, %gather3A_383 : vector<16xf32>
      %add3A_396 = arith.addf %add3A_372, %gather3A_384 : vector<16xf32>
      %add3A_397 = arith.addf %add3A_373, %gather3A_385 : vector<16xf32>
      %add3A_398 = arith.addf %add3A_374, %gather3A_386 : vector<16xf32>
      %mul3A_399 = arith.mulf %gather3A_383, %gather3A_384 : vector<16xf32>
      %add3A_400 = arith.addf %add3A_376, %mul3A_399 : vector<16xf32>
      %mul3A_401 = arith.mulf %gather3A_383, %gather3A_385 : vector<16xf32>
      %add3A_402 = arith.addf %add3A_378, %mul3A_401 : vector<16xf32>
      %mul3A_403 = arith.mulf %gather3A_383, %gather3A_386 : vector<16xf32>
      %add3A_404 = arith.addf %add3A_380, %mul3A_403 : vector<16xf32>
      %broadcast_in_dim3A_405 = arith.constant 5 : i32
      %broadcast_in_dim3A_406 = vector.broadcast %broadcast_in_dim3A_405 : i32 to vector<16xi32>
      %gather3A_407 = tpu.vector_load_idx %arg15[%add3A_285, %broadcast_in_dim3A_406] : memref<512x16xf32, #tpu.memory_space<vmem>>[vector<16xi32>, vector<16xi32>], vector<16xf32>,
      %gather3A_408 = tpu.vector_load_idx %arg16[%add3A_285, %broadcast_in_dim3A_406] : memref<512x16xf32, #tpu.memory_space<vmem>>[vector<16xi32>, vector<16xi32>], vector<16xf32>,
      %gather3A_409 = tpu.vector_load_idx %arg17[%add3A_285, %broadcast_in_dim3A_406] : memref<512x16xf32, #tpu.memory_space<vmem>>[vector<16xi32>, vector<16xi32>], vector<16xf32>,
      %gather3A_410 = tpu.vector_load_idx %arg18[%add3A_285, %broadcast_in_dim3A_406] : memref<512x16xf32, #tpu.memory_space<vmem>>[vector<16xi32>, vector<16xi32>], vector<16xf32>,
      %mul3A_411 = arith.mulf %gather3A_407, %gather3A_407 : vector<16xf32>
      %add3A_412 = arith.addf %add3A_388, %mul3A_411 : vector<16xf32>
      %mul3A_413 = arith.mulf %gather3A_408, %gather3A_408 : vector<16xf32>
      %add3A_414 = arith.addf %add3A_390, %mul3A_413 : vector<16xf32>
      %mul3A_415 = arith.mulf %gather3A_409, %gather3A_409 : vector<16xf32>
      %add3A_416 = arith.addf %add3A_392, %mul3A_415 : vector<16xf32>
      %mul3A_417 = arith.mulf %gather3A_410, %gather3A_410 : vector<16xf32>
      %add3A_418 = arith.addf %add3A_394, %mul3A_417 : vector<16xf32>
      %add3A_419 = arith.addf %add3A_395, %gather3A_407 : vector<16xf32>
      %add3A_420 = arith.addf %add3A_396, %gather3A_408 : vector<16xf32>
      %add3A_421 = arith.addf %add3A_397, %gather3A_409 : vector<16xf32>
      %add3A_422 = arith.addf %add3A_398, %gather3A_410 : vector<16xf32>
      %mul3A_423 = arith.mulf %gather3A_407, %gather3A_408 : vector<16xf32>
      %add3A_424 = arith.addf %add3A_400, %mul3A_423 : vector<16xf32>
      %mul3A_425 = arith.mulf %gather3A_407, %gather3A_409 : vector<16xf32>
      %add3A_426 = arith.addf %add3A_402, %mul3A_425 : vector<16xf32>
      %mul3A_427 = arith.mulf %gather3A_407, %gather3A_410 : vector<16xf32>
      %add3A_428 = arith.addf %add3A_404, %mul3A_427 : vector<16xf32>
      %broadcast_in_dim3A_429 = arith.constant 6 : i32
      %broadcast_in_dim3A_430 = vector.broadcast %broadcast_in_dim3A_429 : i32 to vector<16xi32>
      %gather3A_431 = tpu.vector_load_idx %arg15[%add3A_285, %broadcast_in_dim3A_430] : memref<512x16xf32, #tpu.memory_space<vmem>>[vector<16xi32>, vector<16xi32>], vector<16xf32>,
      %gather3A_432 = tpu.vector_load_idx %arg16[%add3A_285, %broadcast_in_dim3A_430] : memref<512x16xf32, #tpu.memory_space<vmem>>[vector<16xi32>, vector<16xi32>], vector<16xf32>,
      %gather3A_433 = tpu.vector_load_idx %arg17[%add3A_285, %broadcast_in_dim3A_430] : memref<512x16xf32, #tpu.memory_space<vmem>>[vector<16xi32>, vector<16xi32>], vector<16xf32>,
      %gather3A_434 = tpu.vector_load_idx %arg18[%add3A_285, %broadcast_in_dim3A_430] : memref<512x16xf32, #tpu.memory_space<vmem>>[vector<16xi32>, vector<16xi32>], vector<16xf32>,
      %mul3A_435 = arith.mulf %gather3A_431, %gather3A_431 : vector<16xf32>
      %add3A_436 = arith.addf %add3A_412, %mul3A_435 : vector<16xf32>
      %mul3A_437 = arith.mulf %gather3A_432, %gather3A_432 : vector<16xf32>
      %add3A_438 = arith.addf %add3A_414, %mul3A_437 : vector<16xf32>
      %mul3A_439 = arith.mulf %gather3A_433, %gather3A_433 : vector<16xf32>
      %add3A_440 = arith.addf %add3A_416, %mul3A_439 : vector<16xf32>
      %mul3A_441 = arith.mulf %gather3A_434, %gather3A_434 : vector<16xf32>
      %add3A_442 = arith.addf %add3A_418, %mul3A_441 : vector<16xf32>
      %add3A_443 = arith.addf %add3A_419, %gather3A_431 : vector<16xf32>
      %add3A_444 = arith.addf %add3A_420, %gather3A_432 : vector<16xf32>
      %add3A_445 = arith.addf %add3A_421, %gather3A_433 : vector<16xf32>
      %add3A_446 = arith.addf %add3A_422, %gather3A_434 : vector<16xf32>
      %mul3A_447 = arith.mulf %gather3A_431, %gather3A_432 : vector<16xf32>
      %add3A_448 = arith.addf %add3A_424, %mul3A_447 : vector<16xf32>
      %mul3A_449 = arith.mulf %gather3A_431, %gather3A_433 : vector<16xf32>
      %add3A_450 = arith.addf %add3A_426, %mul3A_449 : vector<16xf32>
      %mul3A_451 = arith.mulf %gather3A_431, %gather3A_434 : vector<16xf32>
      %add3A_452 = arith.addf %add3A_428, %mul3A_451 : vector<16xf32>
      %broadcast_in_dim3A_453 = arith.constant 7 : i32
      %broadcast_in_dim3A_454 = vector.broadcast %broadcast_in_dim3A_453 : i32 to vector<16xi32>
      %gather3A_455 = tpu.vector_load_idx %arg15[%add3A_285, %broadcast_in_dim3A_454] : memref<512x16xf32, #tpu.memory_space<vmem>>[vector<16xi32>, vector<16xi32>], vector<16xf32>,
      %gather3A_456 = tpu.vector_load_idx %arg16[%add3A_285, %broadcast_in_dim3A_454] : memref<512x16xf32, #tpu.memory_space<vmem>>[vector<16xi32>, vector<16xi32>], vector<16xf32>,
      %gather3A_457 = tpu.vector_load_idx %arg17[%add3A_285, %broadcast_in_dim3A_454] : memref<512x16xf32, #tpu.memory_space<vmem>>[vector<16xi32>, vector<16xi32>], vector<16xf32>,
      %gather3A_458 = tpu.vector_load_idx %arg18[%add3A_285, %broadcast_in_dim3A_454] : memref<512x16xf32, #tpu.memory_space<vmem>>[vector<16xi32>, vector<16xi32>], vector<16xf32>,
      %mul3A_459 = arith.mulf %gather3A_455, %gather3A_455 : vector<16xf32>
      %add3A_460 = arith.addf %add3A_436, %mul3A_459 : vector<16xf32>
      %mul3A_461 = arith.mulf %gather3A_456, %gather3A_456 : vector<16xf32>
      %add3A_462 = arith.addf %add3A_438, %mul3A_461 : vector<16xf32>
      %mul3A_463 = arith.mulf %gather3A_457, %gather3A_457 : vector<16xf32>
      %add3A_464 = arith.addf %add3A_440, %mul3A_463 : vector<16xf32>
      %mul3A_465 = arith.mulf %gather3A_458, %gather3A_458 : vector<16xf32>
      %add3A_466 = arith.addf %add3A_442, %mul3A_465 : vector<16xf32>
      %add3A_467 = arith.addf %add3A_443, %gather3A_455 : vector<16xf32>
      %add3A_468 = arith.addf %add3A_444, %gather3A_456 : vector<16xf32>
      %add3A_469 = arith.addf %add3A_445, %gather3A_457 : vector<16xf32>
      %add3A_470 = arith.addf %add3A_446, %gather3A_458 : vector<16xf32>
      %mul3A_471 = arith.mulf %gather3A_455, %gather3A_456 : vector<16xf32>
      %add3A_472 = arith.addf %add3A_448, %mul3A_471 : vector<16xf32>
      %mul3A_473 = arith.mulf %gather3A_455, %gather3A_457 : vector<16xf32>
      %add3A_474 = arith.addf %add3A_450, %mul3A_473 : vector<16xf32>
      %mul3A_475 = arith.mulf %gather3A_455, %gather3A_458 : vector<16xf32>
      %add3A_476 = arith.addf %add3A_452, %mul3A_475 : vector<16xf32>
      %broadcast_in_dim3A_477 = arith.constant 8 : i32
      %broadcast_in_dim3A_478 = vector.broadcast %broadcast_in_dim3A_477 : i32 to vector<16xi32>
      %gather3A_479 = tpu.vector_load_idx %arg15[%add3A_285, %broadcast_in_dim3A_478] : memref<512x16xf32, #tpu.memory_space<vmem>>[vector<16xi32>, vector<16xi32>], vector<16xf32>,
      %gather3A_480 = tpu.vector_load_idx %arg16[%add3A_285, %broadcast_in_dim3A_478] : memref<512x16xf32, #tpu.memory_space<vmem>>[vector<16xi32>, vector<16xi32>], vector<16xf32>,
      %gather3A_481 = tpu.vector_load_idx %arg17[%add3A_285, %broadcast_in_dim3A_478] : memref<512x16xf32, #tpu.memory_space<vmem>>[vector<16xi32>, vector<16xi32>], vector<16xf32>,
      %gather3A_482 = tpu.vector_load_idx %arg18[%add3A_285, %broadcast_in_dim3A_478] : memref<512x16xf32, #tpu.memory_space<vmem>>[vector<16xi32>, vector<16xi32>], vector<16xf32>,
      %mul3A_483 = arith.mulf %gather3A_479, %gather3A_479 : vector<16xf32>
      %add3A_484 = arith.addf %add3A_460, %mul3A_483 : vector<16xf32>
      %mul3A_485 = arith.mulf %gather3A_480, %gather3A_480 : vector<16xf32>
      %add3A_486 = arith.addf %add3A_462, %mul3A_485 : vector<16xf32>
      %mul3A_487 = arith.mulf %gather3A_481, %gather3A_481 : vector<16xf32>
      %add3A_488 = arith.addf %add3A_464, %mul3A_487 : vector<16xf32>
      %mul3A_489 = arith.mulf %gather3A_482, %gather3A_482 : vector<16xf32>
      %add3A_490 = arith.addf %add3A_466, %mul3A_489 : vector<16xf32>
      %add3A_491 = arith.addf %add3A_467, %gather3A_479 : vector<16xf32>
      %add3A_492 = arith.addf %add3A_468, %gather3A_480 : vector<16xf32>
      %add3A_493 = arith.addf %add3A_469, %gather3A_481 : vector<16xf32>
      %add3A_494 = arith.addf %add3A_470, %gather3A_482 : vector<16xf32>
      %mul3A_495 = arith.mulf %gather3A_479, %gather3A_480 : vector<16xf32>
      %add3A_496 = arith.addf %add3A_472, %mul3A_495 : vector<16xf32>
      %mul3A_497 = arith.mulf %gather3A_479, %gather3A_481 : vector<16xf32>
      %add3A_498 = arith.addf %add3A_474, %mul3A_497 : vector<16xf32>
      %mul3A_499 = arith.mulf %gather3A_479, %gather3A_482 : vector<16xf32>
      %add3A_500 = arith.addf %add3A_476, %mul3A_499 : vector<16xf32>
      %broadcast_in_dim3A_501 = arith.constant 9 : i32
      %broadcast_in_dim3A_502 = vector.broadcast %broadcast_in_dim3A_501 : i32 to vector<16xi32>
      %gather3A_503 = tpu.vector_load_idx %arg15[%add3A_285, %broadcast_in_dim3A_502] : memref<512x16xf32, #tpu.memory_space<vmem>>[vector<16xi32>, vector<16xi32>], vector<16xf32>,
      %gather3A_504 = tpu.vector_load_idx %arg16[%add3A_285, %broadcast_in_dim3A_502] : memref<512x16xf32, #tpu.memory_space<vmem>>[vector<16xi32>, vector<16xi32>], vector<16xf32>,
      %gather3A_505 = tpu.vector_load_idx %arg17[%add3A_285, %broadcast_in_dim3A_502] : memref<512x16xf32, #tpu.memory_space<vmem>>[vector<16xi32>, vector<16xi32>], vector<16xf32>,
      %gather3A_506 = tpu.vector_load_idx %arg18[%add3A_285, %broadcast_in_dim3A_502] : memref<512x16xf32, #tpu.memory_space<vmem>>[vector<16xi32>, vector<16xi32>], vector<16xf32>,
      %mul3A_507 = arith.mulf %gather3A_503, %gather3A_503 : vector<16xf32>
      %add3A_508 = arith.addf %add3A_484, %mul3A_507 : vector<16xf32>
      %mul3A_509 = arith.mulf %gather3A_504, %gather3A_504 : vector<16xf32>
      %add3A_510 = arith.addf %add3A_486, %mul3A_509 : vector<16xf32>
      %mul3A_511 = arith.mulf %gather3A_505, %gather3A_505 : vector<16xf32>
      %add3A_512 = arith.addf %add3A_488, %mul3A_511 : vector<16xf32>
      %mul3A_513 = arith.mulf %gather3A_506, %gather3A_506 : vector<16xf32>
      %add3A_514 = arith.addf %add3A_490, %mul3A_513 : vector<16xf32>
      %add3A_515 = arith.addf %add3A_491, %gather3A_503 : vector<16xf32>
      %add3A_516 = arith.addf %add3A_492, %gather3A_504 : vector<16xf32>
      %add3A_517 = arith.addf %add3A_493, %gather3A_505 : vector<16xf32>
      %add3A_518 = arith.addf %add3A_494, %gather3A_506 : vector<16xf32>
      %mul3A_519 = arith.mulf %gather3A_503, %gather3A_504 : vector<16xf32>
      %add3A_520 = arith.addf %add3A_496, %mul3A_519 : vector<16xf32>
      %mul3A_521 = arith.mulf %gather3A_503, %gather3A_505 : vector<16xf32>
      %add3A_522 = arith.addf %add3A_498, %mul3A_521 : vector<16xf32>
      %mul3A_523 = arith.mulf %gather3A_503, %gather3A_506 : vector<16xf32>
      %add3A_524 = arith.addf %add3A_500, %mul3A_523 : vector<16xf32>
      %broadcast_in_dim3A_525 = arith.constant 10 : i32
      %broadcast_in_dim3A_526 = vector.broadcast %broadcast_in_dim3A_525 : i32 to vector<16xi32>
      %gather3A_527 = tpu.vector_load_idx %arg15[%add3A_285, %broadcast_in_dim3A_526] : memref<512x16xf32, #tpu.memory_space<vmem>>[vector<16xi32>, vector<16xi32>], vector<16xf32>,
      %gather3A_528 = tpu.vector_load_idx %arg16[%add3A_285, %broadcast_in_dim3A_526] : memref<512x16xf32, #tpu.memory_space<vmem>>[vector<16xi32>, vector<16xi32>], vector<16xf32>,
      %gather3A_529 = tpu.vector_load_idx %arg17[%add3A_285, %broadcast_in_dim3A_526] : memref<512x16xf32, #tpu.memory_space<vmem>>[vector<16xi32>, vector<16xi32>], vector<16xf32>,
      %gather3A_530 = tpu.vector_load_idx %arg18[%add3A_285, %broadcast_in_dim3A_526] : memref<512x16xf32, #tpu.memory_space<vmem>>[vector<16xi32>, vector<16xi32>], vector<16xf32>,
      %mul3A_531 = arith.mulf %gather3A_527, %gather3A_527 : vector<16xf32>
      %add3A_532 = arith.addf %add3A_508, %mul3A_531 : vector<16xf32>
      %mul3A_533 = arith.mulf %gather3A_528, %gather3A_528 : vector<16xf32>
      %add3A_534 = arith.addf %add3A_510, %mul3A_533 : vector<16xf32>
      %mul3A_535 = arith.mulf %gather3A_529, %gather3A_529 : vector<16xf32>
      %add3A_536 = arith.addf %add3A_512, %mul3A_535 : vector<16xf32>
      %mul3A_537 = arith.mulf %gather3A_530, %gather3A_530 : vector<16xf32>
      %add3A_538 = arith.addf %add3A_514, %mul3A_537 : vector<16xf32>
      %add3A_539 = arith.addf %add3A_515, %gather3A_527 : vector<16xf32>
      %add3A_540 = arith.addf %add3A_516, %gather3A_528 : vector<16xf32>
      %add3A_541 = arith.addf %add3A_517, %gather3A_529 : vector<16xf32>
      %add3A_542 = arith.addf %add3A_518, %gather3A_530 : vector<16xf32>
      %mul3A_543 = arith.mulf %gather3A_527, %gather3A_528 : vector<16xf32>
      %add3A_544 = arith.addf %add3A_520, %mul3A_543 : vector<16xf32>
      %mul3A_545 = arith.mulf %gather3A_527, %gather3A_529 : vector<16xf32>
      %add3A_546 = arith.addf %add3A_522, %mul3A_545 : vector<16xf32>
      %mul3A_547 = arith.mulf %gather3A_527, %gather3A_530 : vector<16xf32>
      %add3A_548 = arith.addf %add3A_524, %mul3A_547 : vector<16xf32>
      %broadcast_in_dim3A_549 = arith.constant 11 : i32
      %broadcast_in_dim3A_550 = vector.broadcast %broadcast_in_dim3A_549 : i32 to vector<16xi32>
      %gather3A_551 = tpu.vector_load_idx %arg15[%add3A_285, %broadcast_in_dim3A_550] : memref<512x16xf32, #tpu.memory_space<vmem>>[vector<16xi32>, vector<16xi32>], vector<16xf32>,
      %gather3A_552 = tpu.vector_load_idx %arg16[%add3A_285, %broadcast_in_dim3A_550] : memref<512x16xf32, #tpu.memory_space<vmem>>[vector<16xi32>, vector<16xi32>], vector<16xf32>,
      %gather3A_553 = tpu.vector_load_idx %arg17[%add3A_285, %broadcast_in_dim3A_550] : memref<512x16xf32, #tpu.memory_space<vmem>>[vector<16xi32>, vector<16xi32>], vector<16xf32>,
      %gather3A_554 = tpu.vector_load_idx %arg18[%add3A_285, %broadcast_in_dim3A_550] : memref<512x16xf32, #tpu.memory_space<vmem>>[vector<16xi32>, vector<16xi32>], vector<16xf32>,
      %mul3A_555 = arith.mulf %gather3A_551, %gather3A_551 : vector<16xf32>
      %add3A_556 = arith.addf %add3A_532, %mul3A_555 : vector<16xf32>
      %mul3A_557 = arith.mulf %gather3A_552, %gather3A_552 : vector<16xf32>
      %add3A_558 = arith.addf %add3A_534, %mul3A_557 : vector<16xf32>
      %mul3A_559 = arith.mulf %gather3A_553, %gather3A_553 : vector<16xf32>
      %add3A_560 = arith.addf %add3A_536, %mul3A_559 : vector<16xf32>
      %mul3A_561 = arith.mulf %gather3A_554, %gather3A_554 : vector<16xf32>
      %add3A_562 = arith.addf %add3A_538, %mul3A_561 : vector<16xf32>
      %add3A_563 = arith.addf %add3A_539, %gather3A_551 : vector<16xf32>
      %add3A_564 = arith.addf %add3A_540, %gather3A_552 : vector<16xf32>
      %add3A_565 = arith.addf %add3A_541, %gather3A_553 : vector<16xf32>
      %add3A_566 = arith.addf %add3A_542, %gather3A_554 : vector<16xf32>
      %mul3A_567 = arith.mulf %gather3A_551, %gather3A_552 : vector<16xf32>
      %add3A_568 = arith.addf %add3A_544, %mul3A_567 : vector<16xf32>
      %mul3A_569 = arith.mulf %gather3A_551, %gather3A_553 : vector<16xf32>
      %add3A_570 = arith.addf %add3A_546, %mul3A_569 : vector<16xf32>
      %mul3A_571 = arith.mulf %gather3A_551, %gather3A_554 : vector<16xf32>
      %add3A_572 = arith.addf %add3A_548, %mul3A_571 : vector<16xf32>
      %broadcast_in_dim3A_573 = arith.constant 12 : i32
      %broadcast_in_dim3A_574 = vector.broadcast %broadcast_in_dim3A_573 : i32 to vector<16xi32>
      %gather3A_575 = tpu.vector_load_idx %arg15[%add3A_285, %broadcast_in_dim3A_574] : memref<512x16xf32, #tpu.memory_space<vmem>>[vector<16xi32>, vector<16xi32>], vector<16xf32>,
      %gather3A_576 = tpu.vector_load_idx %arg16[%add3A_285, %broadcast_in_dim3A_574] : memref<512x16xf32, #tpu.memory_space<vmem>>[vector<16xi32>, vector<16xi32>], vector<16xf32>,
      %gather3A_577 = tpu.vector_load_idx %arg17[%add3A_285, %broadcast_in_dim3A_574] : memref<512x16xf32, #tpu.memory_space<vmem>>[vector<16xi32>, vector<16xi32>], vector<16xf32>,
      %gather3A_578 = tpu.vector_load_idx %arg18[%add3A_285, %broadcast_in_dim3A_574] : memref<512x16xf32, #tpu.memory_space<vmem>>[vector<16xi32>, vector<16xi32>], vector<16xf32>,
      %mul3A_579 = arith.mulf %gather3A_575, %gather3A_575 : vector<16xf32>
      %add3A_580 = arith.addf %add3A_556, %mul3A_579 : vector<16xf32>
      %mul3A_581 = arith.mulf %gather3A_576, %gather3A_576 : vector<16xf32>
      %add3A_582 = arith.addf %add3A_558, %mul3A_581 : vector<16xf32>
      %mul3A_583 = arith.mulf %gather3A_577, %gather3A_577 : vector<16xf32>
      %add3A_584 = arith.addf %add3A_560, %mul3A_583 : vector<16xf32>
      %mul3A_585 = arith.mulf %gather3A_578, %gather3A_578 : vector<16xf32>
      %add3A_586 = arith.addf %add3A_562, %mul3A_585 : vector<16xf32>
      %add3A_587 = arith.addf %add3A_563, %gather3A_575 : vector<16xf32>
      %add3A_588 = arith.addf %add3A_564, %gather3A_576 : vector<16xf32>
      %add3A_589 = arith.addf %add3A_565, %gather3A_577 : vector<16xf32>
      %add3A_590 = arith.addf %add3A_566, %gather3A_578 : vector<16xf32>
      %mul3A_591 = arith.mulf %gather3A_575, %gather3A_576 : vector<16xf32>
      %add3A_592 = arith.addf %add3A_568, %mul3A_591 : vector<16xf32>
      %mul3A_593 = arith.mulf %gather3A_575, %gather3A_577 : vector<16xf32>
      %add3A_594 = arith.addf %add3A_570, %mul3A_593 : vector<16xf32>
      %mul3A_595 = arith.mulf %gather3A_575, %gather3A_578 : vector<16xf32>
      %add3A_596 = arith.addf %add3A_572, %mul3A_595 : vector<16xf32>
      %broadcast_in_dim3A_597 = arith.constant 13 : i32
      %broadcast_in_dim3A_598 = vector.broadcast %broadcast_in_dim3A_597 : i32 to vector<16xi32>
      %gather3A_599 = tpu.vector_load_idx %arg15[%add3A_285, %broadcast_in_dim3A_598] : memref<512x16xf32, #tpu.memory_space<vmem>>[vector<16xi32>, vector<16xi32>], vector<16xf32>,
      %gather3A_600 = tpu.vector_load_idx %arg16[%add3A_285, %broadcast_in_dim3A_598] : memref<512x16xf32, #tpu.memory_space<vmem>>[vector<16xi32>, vector<16xi32>], vector<16xf32>,
      %gather3A_601 = tpu.vector_load_idx %arg17[%add3A_285, %broadcast_in_dim3A_598] : memref<512x16xf32, #tpu.memory_space<vmem>>[vector<16xi32>, vector<16xi32>], vector<16xf32>,
      %gather3A_602 = tpu.vector_load_idx %arg18[%add3A_285, %broadcast_in_dim3A_598] : memref<512x16xf32, #tpu.memory_space<vmem>>[vector<16xi32>, vector<16xi32>], vector<16xf32>,
      %mul3A_603 = arith.mulf %gather3A_599, %gather3A_599 : vector<16xf32>
      %add3A_604 = arith.addf %add3A_580, %mul3A_603 : vector<16xf32>
      %mul3A_605 = arith.mulf %gather3A_600, %gather3A_600 : vector<16xf32>
      %add3A_606 = arith.addf %add3A_582, %mul3A_605 : vector<16xf32>
      %mul3A_607 = arith.mulf %gather3A_601, %gather3A_601 : vector<16xf32>
      %add3A_608 = arith.addf %add3A_584, %mul3A_607 : vector<16xf32>
      %mul3A_609 = arith.mulf %gather3A_602, %gather3A_602 : vector<16xf32>
      %add3A_610 = arith.addf %add3A_586, %mul3A_609 : vector<16xf32>
      %add3A_611 = arith.addf %add3A_587, %gather3A_599 : vector<16xf32>
      %add3A_612 = arith.addf %add3A_588, %gather3A_600 : vector<16xf32>
      %add3A_613 = arith.addf %add3A_589, %gather3A_601 : vector<16xf32>
      %add3A_614 = arith.addf %add3A_590, %gather3A_602 : vector<16xf32>
      %mul3A_615 = arith.mulf %gather3A_599, %gather3A_600 : vector<16xf32>
      %add3A_616 = arith.addf %add3A_592, %mul3A_615 : vector<16xf32>
      %mul3A_617 = arith.mulf %gather3A_599, %gather3A_601 : vector<16xf32>
      %add3A_618 = arith.addf %add3A_594, %mul3A_617 : vector<16xf32>
      %mul3A_619 = arith.mulf %gather3A_599, %gather3A_602 : vector<16xf32>
      %add3A_620 = arith.addf %add3A_596, %mul3A_619 : vector<16xf32>
      %broadcast_in_dim3A_621 = arith.constant 14 : i32
      %broadcast_in_dim3A_622 = vector.broadcast %broadcast_in_dim3A_621 : i32 to vector<16xi32>
      %gather3A_623 = tpu.vector_load_idx %arg15[%add3A_285, %broadcast_in_dim3A_622] : memref<512x16xf32, #tpu.memory_space<vmem>>[vector<16xi32>, vector<16xi32>], vector<16xf32>,
      %gather3A_624 = tpu.vector_load_idx %arg16[%add3A_285, %broadcast_in_dim3A_622] : memref<512x16xf32, #tpu.memory_space<vmem>>[vector<16xi32>, vector<16xi32>], vector<16xf32>,
      %gather3A_625 = tpu.vector_load_idx %arg17[%add3A_285, %broadcast_in_dim3A_622] : memref<512x16xf32, #tpu.memory_space<vmem>>[vector<16xi32>, vector<16xi32>], vector<16xf32>,
      %gather3A_626 = tpu.vector_load_idx %arg18[%add3A_285, %broadcast_in_dim3A_622] : memref<512x16xf32, #tpu.memory_space<vmem>>[vector<16xi32>, vector<16xi32>], vector<16xf32>,
      %mul3A_627 = arith.mulf %gather3A_623, %gather3A_623 : vector<16xf32>
      %add3A_628 = arith.addf %add3A_604, %mul3A_627 : vector<16xf32>
      %mul3A_629 = arith.mulf %gather3A_624, %gather3A_624 : vector<16xf32>
      %add3A_630 = arith.addf %add3A_606, %mul3A_629 : vector<16xf32>
      %mul3A_631 = arith.mulf %gather3A_625, %gather3A_625 : vector<16xf32>
      %add3A_632 = arith.addf %add3A_608, %mul3A_631 : vector<16xf32>
      %mul3A_633 = arith.mulf %gather3A_626, %gather3A_626 : vector<16xf32>
      %add3A_634 = arith.addf %add3A_610, %mul3A_633 : vector<16xf32>
      %add3A_635 = arith.addf %add3A_611, %gather3A_623 : vector<16xf32>
      %add3A_636 = arith.addf %add3A_612, %gather3A_624 : vector<16xf32>
      %add3A_637 = arith.addf %add3A_613, %gather3A_625 : vector<16xf32>
      %add3A_638 = arith.addf %add3A_614, %gather3A_626 : vector<16xf32>
      %mul3A_639 = arith.mulf %gather3A_623, %gather3A_624 : vector<16xf32>
      %add3A_640 = arith.addf %add3A_616, %mul3A_639 : vector<16xf32>
      %mul3A_641 = arith.mulf %gather3A_623, %gather3A_625 : vector<16xf32>
      %add3A_642 = arith.addf %add3A_618, %mul3A_641 : vector<16xf32>
      %mul3A_643 = arith.mulf %gather3A_623, %gather3A_626 : vector<16xf32>
      %add3A_644 = arith.addf %add3A_620, %mul3A_643 : vector<16xf32>
      %broadcast_in_dim3A_645 = arith.constant 15 : i32
      %broadcast_in_dim3A_646 = vector.broadcast %broadcast_in_dim3A_645 : i32 to vector<16xi32>
      %gather3A_647 = tpu.vector_load_idx %arg15[%add3A_285, %broadcast_in_dim3A_646] : memref<512x16xf32, #tpu.memory_space<vmem>>[vector<16xi32>, vector<16xi32>], vector<16xf32>,
      %gather3A_648 = tpu.vector_load_idx %arg16[%add3A_285, %broadcast_in_dim3A_646] : memref<512x16xf32, #tpu.memory_space<vmem>>[vector<16xi32>, vector<16xi32>], vector<16xf32>,
      %gather3A_649 = tpu.vector_load_idx %arg17[%add3A_285, %broadcast_in_dim3A_646] : memref<512x16xf32, #tpu.memory_space<vmem>>[vector<16xi32>, vector<16xi32>], vector<16xf32>,
      %gather3A_650 = tpu.vector_load_idx %arg18[%add3A_285, %broadcast_in_dim3A_646] : memref<512x16xf32, #tpu.memory_space<vmem>>[vector<16xi32>, vector<16xi32>], vector<16xf32>,
      %mul3A_651 = arith.mulf %gather3A_647, %gather3A_647 : vector<16xf32>
      %add3A_652 = arith.addf %add3A_628, %mul3A_651 : vector<16xf32>
      %mul3A_653 = arith.mulf %gather3A_648, %gather3A_648 : vector<16xf32>
      %add3A_654 = arith.addf %add3A_630, %mul3A_653 : vector<16xf32>
      %mul3A_655 = arith.mulf %gather3A_649, %gather3A_649 : vector<16xf32>
      %add3A_656 = arith.addf %add3A_632, %mul3A_655 : vector<16xf32>
      %mul3A_657 = arith.mulf %gather3A_650, %gather3A_650 : vector<16xf32>
      %add3A_658 = arith.addf %add3A_634, %mul3A_657 : vector<16xf32>
      %add3A_659 = arith.addf %add3A_635, %gather3A_647 : vector<16xf32>
      %add3A_660 = arith.addf %add3A_636, %gather3A_648 : vector<16xf32>
      %add3A_661 = arith.addf %add3A_637, %gather3A_649 : vector<16xf32>
      %add3A_662 = arith.addf %add3A_638, %gather3A_650 : vector<16xf32>
      %mul3A_663 = arith.mulf %gather3A_647, %gather3A_648 : vector<16xf32>
      %add3A_664 = arith.addf %add3A_640, %mul3A_663 : vector<16xf32>
      %mul3A_665 = arith.mulf %gather3A_647, %gather3A_649 : vector<16xf32>
      %add3A_666 = arith.addf %add3A_642, %mul3A_665 : vector<16xf32>
      %mul3A_667 = arith.mulf %gather3A_647, %gather3A_650 : vector<16xf32>
      %add3A_668 = arith.addf %add3A_644, %mul3A_667 : vector<16xf32>
      %max3A = arith.constant 1.000000e-24 : f32
      %max3A_669 = vector.broadcast %max3A : f32 to vector<16xf32>
      %max3A_670 = arith.maximumf %add3A_652, %max3A_669 : vector<16xf32>
      %bitcast3A = vector.bitcast %max3A_670 : vector<16xf32> to vector<16xi32>
      %shift_right_arithmetic3A = arith.constant 1 : i32
      %shift_right_arithmetic3A_671 = vector.broadcast %shift_right_arithmetic3A : i32 to vector<16xi32>
      %shift_right_arithmetic3A_672 = arith.shrsi %bitcast3A, %shift_right_arithmetic3A_671 : vector<16xi32>
      %sub3A = arith.constant 1597463007 : i32
      %sub3A_673 = vector.broadcast %sub3A : i32 to vector<16xi32>
      %sub3A_674 = arith.subi %sub3A_673, %shift_right_arithmetic3A_672 : vector<16xi32>
      %bitcast3A_675 = vector.bitcast %sub3A_674 : vector<16xi32> to vector<16xf32>
      %mul3A_676 = arith.constant 5.000000e-01 : f32
      %mul3A_677 = vector.broadcast %mul3A_676 : f32 to vector<16xf32>
      %mul3A_678 = arith.mulf %mul3A_677, %max3A_670 : vector<16xf32>
      %mul3A_679 = arith.mulf %mul3A_678, %bitcast3A_675 : vector<16xf32>
      %mul3A_680 = arith.mulf %mul3A_679, %bitcast3A_675 : vector<16xf32>
      %sub3A_681 = arith.constant 1.500000e+00 : f32
      %sub3A_682 = vector.broadcast %sub3A_681 : f32 to vector<16xf32>
      %sub3A_683 = arith.subf %sub3A_682, %mul3A_680 : vector<16xf32>
      %mul3A_684 = arith.mulf %bitcast3A_675, %sub3A_683 : vector<16xf32>
      %mul3A_685 = arith.constant 5.000000e-01 : f32
      %mul3A_686 = vector.broadcast %mul3A_685 : f32 to vector<16xf32>
      %mul3A_687 = arith.mulf %mul3A_686, %max3A_670 : vector<16xf32>
      %mul3A_688 = arith.mulf %mul3A_687, %mul3A_684 : vector<16xf32>
      %mul3A_689 = arith.mulf %mul3A_688, %mul3A_684 : vector<16xf32>
      %sub3A_690 = arith.constant 1.500000e+00 : f32
      %sub3A_691 = vector.broadcast %sub3A_690 : f32 to vector<16xf32>
      %sub3A_692 = arith.subf %sub3A_691, %mul3A_689 : vector<16xf32>
      %mul3A_693 = arith.mulf %mul3A_684, %sub3A_692 : vector<16xf32>
      %mul3A_694 = arith.constant 5.000000e-01 : f32
      %mul3A_695 = vector.broadcast %mul3A_694 : f32 to vector<16xf32>
      %mul3A_696 = arith.mulf %mul3A_695, %max3A_670 : vector<16xf32>
      %mul3A_697 = arith.mulf %mul3A_696, %mul3A_693 : vector<16xf32>
      %mul3A_698 = arith.mulf %mul3A_697, %mul3A_693 : vector<16xf32>
      %sub3A_699 = arith.constant 1.500000e+00 : f32
      %sub3A_700 = vector.broadcast %sub3A_699 : f32 to vector<16xf32>
      %sub3A_701 = arith.subf %sub3A_700, %mul3A_698 : vector<16xf32>
      %mul3A_702 = arith.mulf %mul3A_693, %sub3A_701 : vector<16xf32>
      %gt3A = arith.constant 1.000000e-24 : f32
      %gt3A_703 = vector.broadcast %gt3A : f32 to vector<16xf32>
      %gt3A_704 = arith.cmpf ogt, %add3A_652, %gt3A_703 : vector<16xf32>
      %jit3A = arith.constant 9.99999995E+11 : f32
      %broadcast_in_dim3A_705 = vector.broadcast %jit3A : f32 to vector<16xf32>
      %select_n3A = arith.select %gt3A_704, %mul3A_702, %broadcast_in_dim3A_705 : vector<16xi1>, vector<16xf32>
      %max3A_706 = arith.constant 1.000000e-24 : f32
      %max3A_707 = vector.broadcast %max3A_706 : f32 to vector<16xf32>
      %max3A_708 = arith.maximumf %add3A_654, %max3A_707 : vector<16xf32>
      %bitcast3A_709 = vector.bitcast %max3A_708 : vector<16xf32> to vector<16xi32>
      %shift_right_arithmetic3A_710 = arith.constant 1 : i32
      %shift_right_arithmetic3A_711 = vector.broadcast %shift_right_arithmetic3A_710 : i32 to vector<16xi32>
      %shift_right_arithmetic3A_712 = arith.shrsi %bitcast3A_709, %shift_right_arithmetic3A_711 : vector<16xi32>
      %sub3A_713 = arith.constant 1597463007 : i32
      %sub3A_714 = vector.broadcast %sub3A_713 : i32 to vector<16xi32>
      %sub3A_715 = arith.subi %sub3A_714, %shift_right_arithmetic3A_712 : vector<16xi32>
      %bitcast3A_716 = vector.bitcast %sub3A_715 : vector<16xi32> to vector<16xf32>
      %mul3A_717 = arith.constant 5.000000e-01 : f32
      %mul3A_718 = vector.broadcast %mul3A_717 : f32 to vector<16xf32>
      %mul3A_719 = arith.mulf %mul3A_718, %max3A_708 : vector<16xf32>
      %mul3A_720 = arith.mulf %mul3A_719, %bitcast3A_716 : vector<16xf32>
      %mul3A_721 = arith.mulf %mul3A_720, %bitcast3A_716 : vector<16xf32>
      %sub3A_722 = arith.constant 1.500000e+00 : f32
      %sub3A_723 = vector.broadcast %sub3A_722 : f32 to vector<16xf32>
      %sub3A_724 = arith.subf %sub3A_723, %mul3A_721 : vector<16xf32>
      %mul3A_725 = arith.mulf %bitcast3A_716, %sub3A_724 : vector<16xf32>
      %mul3A_726 = arith.constant 5.000000e-01 : f32
      %mul3A_727 = vector.broadcast %mul3A_726 : f32 to vector<16xf32>
      %mul3A_728 = arith.mulf %mul3A_727, %max3A_708 : vector<16xf32>
      %mul3A_729 = arith.mulf %mul3A_728, %mul3A_725 : vector<16xf32>
      %mul3A_730 = arith.mulf %mul3A_729, %mul3A_725 : vector<16xf32>
      %sub3A_731 = arith.constant 1.500000e+00 : f32
      %sub3A_732 = vector.broadcast %sub3A_731 : f32 to vector<16xf32>
      %sub3A_733 = arith.subf %sub3A_732, %mul3A_730 : vector<16xf32>
      %mul3A_734 = arith.mulf %mul3A_725, %sub3A_733 : vector<16xf32>
      %mul3A_735 = arith.constant 5.000000e-01 : f32
      %mul3A_736 = vector.broadcast %mul3A_735 : f32 to vector<16xf32>
      %mul3A_737 = arith.mulf %mul3A_736, %max3A_708 : vector<16xf32>
      %mul3A_738 = arith.mulf %mul3A_737, %mul3A_734 : vector<16xf32>
      %mul3A_739 = arith.mulf %mul3A_738, %mul3A_734 : vector<16xf32>
      %sub3A_740 = arith.constant 1.500000e+00 : f32
      %sub3A_741 = vector.broadcast %sub3A_740 : f32 to vector<16xf32>
      %sub3A_742 = arith.subf %sub3A_741, %mul3A_739 : vector<16xf32>
      %mul3A_743 = arith.mulf %mul3A_734, %sub3A_742 : vector<16xf32>
      %gt3A_744 = arith.constant 1.000000e-24 : f32
      %gt3A_745 = vector.broadcast %gt3A_744 : f32 to vector<16xf32>
      %gt3A_746 = arith.cmpf ogt, %add3A_654, %gt3A_745 : vector<16xf32>
      %jit3A_747 = arith.constant 9.99999995E+11 : f32
      %broadcast_in_dim3A_748 = vector.broadcast %jit3A_747 : f32 to vector<16xf32>
      %select_n3A_749 = arith.select %gt3A_746, %mul3A_743, %broadcast_in_dim3A_748 : vector<16xi1>, vector<16xf32>
      %max3A_750 = arith.constant 1.000000e-24 : f32
      %max3A_751 = vector.broadcast %max3A_750 : f32 to vector<16xf32>
      %max3A_752 = arith.maximumf %add3A_656, %max3A_751 : vector<16xf32>
      %bitcast3A_753 = vector.bitcast %max3A_752 : vector<16xf32> to vector<16xi32>
      %shift_right_arithmetic3A_754 = arith.constant 1 : i32
      %shift_right_arithmetic3A_755 = vector.broadcast %shift_right_arithmetic3A_754 : i32 to vector<16xi32>
      %shift_right_arithmetic3A_756 = arith.shrsi %bitcast3A_753, %shift_right_arithmetic3A_755 : vector<16xi32>
      %sub3A_757 = arith.constant 1597463007 : i32
      %sub3A_758 = vector.broadcast %sub3A_757 : i32 to vector<16xi32>
      %sub3A_759 = arith.subi %sub3A_758, %shift_right_arithmetic3A_756 : vector<16xi32>
      %bitcast3A_760 = vector.bitcast %sub3A_759 : vector<16xi32> to vector<16xf32>
      %mul3A_761 = arith.constant 5.000000e-01 : f32
      %mul3A_762 = vector.broadcast %mul3A_761 : f32 to vector<16xf32>
      %mul3A_763 = arith.mulf %mul3A_762, %max3A_752 : vector<16xf32>
      %mul3A_764 = arith.mulf %mul3A_763, %bitcast3A_760 : vector<16xf32>
      %mul3A_765 = arith.mulf %mul3A_764, %bitcast3A_760 : vector<16xf32>
      %sub3A_766 = arith.constant 1.500000e+00 : f32
      %sub3A_767 = vector.broadcast %sub3A_766 : f32 to vector<16xf32>
      %sub3A_768 = arith.subf %sub3A_767, %mul3A_765 : vector<16xf32>
      %mul3A_769 = arith.mulf %bitcast3A_760, %sub3A_768 : vector<16xf32>
      %mul3A_770 = arith.constant 5.000000e-01 : f32
      %mul3A_771 = vector.broadcast %mul3A_770 : f32 to vector<16xf32>
      %mul3A_772 = arith.mulf %mul3A_771, %max3A_752 : vector<16xf32>
      %mul3A_773 = arith.mulf %mul3A_772, %mul3A_769 : vector<16xf32>
      %mul3A_774 = arith.mulf %mul3A_773, %mul3A_769 : vector<16xf32>
      %sub3A_775 = arith.constant 1.500000e+00 : f32
      %sub3A_776 = vector.broadcast %sub3A_775 : f32 to vector<16xf32>
      %sub3A_777 = arith.subf %sub3A_776, %mul3A_774 : vector<16xf32>
      %mul3A_778 = arith.mulf %mul3A_769, %sub3A_777 : vector<16xf32>
      %mul3A_779 = arith.constant 5.000000e-01 : f32
      %mul3A_780 = vector.broadcast %mul3A_779 : f32 to vector<16xf32>
      %mul3A_781 = arith.mulf %mul3A_780, %max3A_752 : vector<16xf32>
      %mul3A_782 = arith.mulf %mul3A_781, %mul3A_778 : vector<16xf32>
      %mul3A_783 = arith.mulf %mul3A_782, %mul3A_778 : vector<16xf32>
      %sub3A_784 = arith.constant 1.500000e+00 : f32
      %sub3A_785 = vector.broadcast %sub3A_784 : f32 to vector<16xf32>
      %sub3A_786 = arith.subf %sub3A_785, %mul3A_783 : vector<16xf32>
      %mul3A_787 = arith.mulf %mul3A_778, %sub3A_786 : vector<16xf32>
      %gt3A_788 = arith.constant 1.000000e-24 : f32
      %gt3A_789 = vector.broadcast %gt3A_788 : f32 to vector<16xf32>
      %gt3A_790 = arith.cmpf ogt, %add3A_656, %gt3A_789 : vector<16xf32>
      %jit3A_791 = arith.constant 9.99999995E+11 : f32
      %broadcast_in_dim3A_792 = vector.broadcast %jit3A_791 : f32 to vector<16xf32>
      %select_n3A_793 = arith.select %gt3A_790, %mul3A_787, %broadcast_in_dim3A_792 : vector<16xi1>, vector<16xf32>
      %max3A_794 = arith.constant 1.000000e-24 : f32
      %max3A_795 = vector.broadcast %max3A_794 : f32 to vector<16xf32>
      %max3A_796 = arith.maximumf %add3A_658, %max3A_795 : vector<16xf32>
      %bitcast3A_797 = vector.bitcast %max3A_796 : vector<16xf32> to vector<16xi32>
      %shift_right_arithmetic3A_798 = arith.constant 1 : i32
      %shift_right_arithmetic3A_799 = vector.broadcast %shift_right_arithmetic3A_798 : i32 to vector<16xi32>
      %shift_right_arithmetic3A_800 = arith.shrsi %bitcast3A_797, %shift_right_arithmetic3A_799 : vector<16xi32>
      %sub3A_801 = arith.constant 1597463007 : i32
      %sub3A_802 = vector.broadcast %sub3A_801 : i32 to vector<16xi32>
      %sub3A_803 = arith.subi %sub3A_802, %shift_right_arithmetic3A_800 : vector<16xi32>
      %bitcast3A_804 = vector.bitcast %sub3A_803 : vector<16xi32> to vector<16xf32>
      %mul3A_805 = arith.constant 5.000000e-01 : f32
      %mul3A_806 = vector.broadcast %mul3A_805 : f32 to vector<16xf32>
      %mul3A_807 = arith.mulf %mul3A_806, %max3A_796 : vector<16xf32>
      %mul3A_808 = arith.mulf %mul3A_807, %bitcast3A_804 : vector<16xf32>
      %mul3A_809 = arith.mulf %mul3A_808, %bitcast3A_804 : vector<16xf32>
      %sub3A_810 = arith.constant 1.500000e+00 : f32
      %sub3A_811 = vector.broadcast %sub3A_810 : f32 to vector<16xf32>
      %sub3A_812 = arith.subf %sub3A_811, %mul3A_809 : vector<16xf32>
      %mul3A_813 = arith.mulf %bitcast3A_804, %sub3A_812 : vector<16xf32>
      %mul3A_814 = arith.constant 5.000000e-01 : f32
      %mul3A_815 = vector.broadcast %mul3A_814 : f32 to vector<16xf32>
      %mul3A_816 = arith.mulf %mul3A_815, %max3A_796 : vector<16xf32>
      %mul3A_817 = arith.mulf %mul3A_816, %mul3A_813 : vector<16xf32>
      %mul3A_818 = arith.mulf %mul3A_817, %mul3A_813 : vector<16xf32>
      %sub3A_819 = arith.constant 1.500000e+00 : f32
      %sub3A_820 = vector.broadcast %sub3A_819 : f32 to vector<16xf32>
      %sub3A_821 = arith.subf %sub3A_820, %mul3A_818 : vector<16xf32>
      %mul3A_822 = arith.mulf %mul3A_813, %sub3A_821 : vector<16xf32>
      %mul3A_823 = arith.constant 5.000000e-01 : f32
      %mul3A_824 = vector.broadcast %mul3A_823 : f32 to vector<16xf32>
      %mul3A_825 = arith.mulf %mul3A_824, %max3A_796 : vector<16xf32>
      %mul3A_826 = arith.mulf %mul3A_825, %mul3A_822 : vector<16xf32>
      %mul3A_827 = arith.mulf %mul3A_826, %mul3A_822 : vector<16xf32>
      %sub3A_828 = arith.constant 1.500000e+00 : f32
      %sub3A_829 = vector.broadcast %sub3A_828 : f32 to vector<16xf32>
      %sub3A_830 = arith.subf %sub3A_829, %mul3A_827 : vector<16xf32>
      %mul3A_831 = arith.mulf %mul3A_822, %sub3A_830 : vector<16xf32>
      %gt3A_832 = arith.constant 1.000000e-24 : f32
      %gt3A_833 = vector.broadcast %gt3A_832 : f32 to vector<16xf32>
      %gt3A_834 = arith.cmpf ogt, %add3A_658, %gt3A_833 : vector<16xf32>
      %jit3A_835 = arith.constant 9.99999995E+11 : f32
      %broadcast_in_dim3A_836 = vector.broadcast %jit3A_835 : f32 to vector<16xf32>
      %select_n3A_837 = arith.select %gt3A_834, %mul3A_831, %broadcast_in_dim3A_836 : vector<16xi1>, vector<16xf32>
      %mul3A_838 = arith.mulf %add3A_652, %select_n3A : vector<16xf32>
      %mul3A_839 = arith.mulf %mul3A_838, %select_n3A : vector<16xf32>
      %mul3A_840 = arith.mulf %add3A_659, %select_n3A : vector<16xf32>
      %mul3A_841 = arith.mulf %add3A_654, %select_n3A_749 : vector<16xf32>
      %mul3A_842 = arith.mulf %mul3A_841, %select_n3A_749 : vector<16xf32>
      %add3A_843 = arith.addf %mul3A_839, %mul3A_842 : vector<16xf32>
      %add3A_844 = vector.broadcast %scan3A_274 : f32 to vector<16xf32>
      %add3A_845 = arith.addf %add3A_843, %add3A_844 : vector<16xf32>
      %mul3A_846 = arith.constant 2.000000e+00 : f32
      %mul3A_847 = vector.broadcast %mul3A_846 : f32 to vector<16xf32>
      %mul3A_848 = arith.mulf %mul3A_847, %add3A_664 : vector<16xf32>
      %mul3A_849 = arith.mulf %mul3A_848, %select_n3A : vector<16xf32>
      %mul3A_850 = arith.mulf %mul3A_849, %select_n3A_749 : vector<16xf32>
      %sub3A_851 = arith.subf %add3A_845, %mul3A_850 : vector<16xf32>
      %mul3A_852 = arith.constant 2.000000e+00 : f32
      %mul3A_853 = arith.mulf %mul3A_852, %scan3A_275 : f32
      %mul3A_854 = arith.mulf %add3A_660, %select_n3A_749 : vector<16xf32>
      %sub3A_855 = arith.subf %mul3A_840, %mul3A_854 : vector<16xf32>
      %mul3A_856 = vector.broadcast %mul3A_853 : f32 to vector<16xf32>
      %mul3A_857 = arith.mulf %mul3A_856, %sub3A_855 : vector<16xf32>
      %add3A_858 = arith.addf %sub3A_851, %mul3A_857 : vector<16xf32>
      %max3A_859 = arith.constant 0.000000e+00 : f32
      %max3A_860 = vector.broadcast %max3A_859 : f32 to vector<16xf32>
      %max3A_861 = arith.maximumf %add3A_858, %max3A_860 : vector<16xf32>
      %max3A_862 = arith.constant 1.000000e-30 : f32
      %max3A_863 = vector.broadcast %max3A_862 : f32 to vector<16xf32>
      %max3A_864 = arith.maximumf %max3A_861, %max3A_863 : vector<16xf32>
      %bitcast3A_865 = vector.bitcast %max3A_864 : vector<16xf32> to vector<16xi32>
      %shift_right_arithmetic3A_866 = arith.constant 1 : i32
      %shift_right_arithmetic3A_867 = vector.broadcast %shift_right_arithmetic3A_866 : i32 to vector<16xi32>
      %shift_right_arithmetic3A_868 = arith.shrsi %bitcast3A_865, %shift_right_arithmetic3A_867 : vector<16xi32>
      %sub3A_869 = arith.constant 1597463007 : i32
      %sub3A_870 = vector.broadcast %sub3A_869 : i32 to vector<16xi32>
      %sub3A_871 = arith.subi %sub3A_870, %shift_right_arithmetic3A_868 : vector<16xi32>
      %bitcast3A_872 = vector.bitcast %sub3A_871 : vector<16xi32> to vector<16xf32>
      %mul3A_873 = arith.constant 5.000000e-01 : f32
      %mul3A_874 = vector.broadcast %mul3A_873 : f32 to vector<16xf32>
      %mul3A_875 = arith.mulf %mul3A_874, %max3A_864 : vector<16xf32>
      %mul3A_876 = arith.mulf %mul3A_875, %bitcast3A_872 : vector<16xf32>
      %mul3A_877 = arith.mulf %mul3A_876, %bitcast3A_872 : vector<16xf32>
      %sub3A_878 = arith.constant 1.500000e+00 : f32
      %sub3A_879 = vector.broadcast %sub3A_878 : f32 to vector<16xf32>
      %sub3A_880 = arith.subf %sub3A_879, %mul3A_877 : vector<16xf32>
      %mul3A_881 = arith.mulf %bitcast3A_872, %sub3A_880 : vector<16xf32>
      %mul3A_882 = arith.constant 5.000000e-01 : f32
      %mul3A_883 = vector.broadcast %mul3A_882 : f32 to vector<16xf32>
      %mul3A_884 = arith.mulf %mul3A_883, %max3A_864 : vector<16xf32>
      %mul3A_885 = arith.mulf %mul3A_884, %mul3A_881 : vector<16xf32>
      %mul3A_886 = arith.mulf %mul3A_885, %mul3A_881 : vector<16xf32>
      %sub3A_887 = arith.constant 1.500000e+00 : f32
      %sub3A_888 = vector.broadcast %sub3A_887 : f32 to vector<16xf32>
      %sub3A_889 = arith.subf %sub3A_888, %mul3A_886 : vector<16xf32>
      %mul3A_890 = arith.mulf %mul3A_881, %sub3A_889 : vector<16xf32>
      %mul3A_891 = arith.constant 5.000000e-01 : f32
      %mul3A_892 = vector.broadcast %mul3A_891 : f32 to vector<16xf32>
      %mul3A_893 = arith.mulf %mul3A_892, %max3A_864 : vector<16xf32>
      %mul3A_894 = arith.mulf %mul3A_893, %mul3A_890 : vector<16xf32>
      %mul3A_895 = arith.mulf %mul3A_894, %mul3A_890 : vector<16xf32>
      %sub3A_896 = arith.constant 1.500000e+00 : f32
      %sub3A_897 = vector.broadcast %sub3A_896 : f32 to vector<16xf32>
      %sub3A_898 = arith.subf %sub3A_897, %mul3A_895 : vector<16xf32>
      %mul3A_899 = arith.mulf %mul3A_890, %sub3A_898 : vector<16xf32>
      %mul3A_900 = arith.mulf %max3A_861, %mul3A_899 : vector<16xf32>
      %mul3A_901 = arith.constant 5.000000e-01 : f32
      %mul3A_902 = vector.broadcast %mul3A_901 : f32 to vector<16xf32>
      %mul3A_903 = arith.mulf %mul3A_902, %mul3A_900 : vector<16xf32>
      %sub3A_904 = arith.constant 1.000000e+00 : f32
      %sub3A_905 = vector.broadcast %sub3A_904 : f32 to vector<16xf32>
      %sub3A_906 = arith.subf %sub3A_905, %mul3A_903 : vector<16xf32>
      %swap3A = arith.index_cast %mul3A_283 : i32 to index
      %swap3A_907 = tpu.vector_load %arg19[%swap3A] {strides = array<i32>} : memref<512xf32, #tpu.memory_space<vmem>>, vector<16xf32>,
      tpu.vector_store %arg19[%swap3A], %sub3A_906 {strides = array<i32>} : memref<512xf32, #tpu.memory_space<vmem>>, vector<16xf32>,
      %mul3A_908 = arith.mulf %add3A_656, %select_n3A_793 : vector<16xf32>
      %mul3A_909 = arith.mulf %mul3A_908, %select_n3A_793 : vector<16xf32>
      %add3A_910 = arith.addf %mul3A_839, %mul3A_909 : vector<16xf32>
      %add3A_911 = vector.broadcast %scan3A_274 : f32 to vector<16xf32>
      %add3A_912 = arith.addf %add3A_910, %add3A_911 : vector<16xf32>
      %mul3A_913 = arith.constant 2.000000e+00 : f32
      %mul3A_914 = vector.broadcast %mul3A_913 : f32 to vector<16xf32>
      %mul3A_915 = arith.mulf %mul3A_914, %add3A_666 : vector<16xf32>
      %mul3A_916 = arith.mulf %mul3A_915, %select_n3A : vector<16xf32>
      %mul3A_917 = arith.mulf %mul3A_916, %select_n3A_793 : vector<16xf32>
      %sub3A_918 = arith.subf %add3A_912, %mul3A_917 : vector<16xf32>
      %mul3A_919 = arith.constant 2.000000e+00 : f32
      %mul3A_920 = arith.mulf %mul3A_919, %scan3A_275 : f32
      %mul3A_921 = arith.mulf %add3A_661, %select_n3A_793 : vector<16xf32>
      %sub3A_922 = arith.subf %mul3A_840, %mul3A_921 : vector<16xf32>
      %mul3A_923 = vector.broadcast %mul3A_920 : f32 to vector<16xf32>
      %mul3A_924 = arith.mulf %mul3A_923, %sub3A_922 : vector<16xf32>
      %add3A_925 = arith.addf %sub3A_918, %mul3A_924 : vector<16xf32>
      %max3A_926 = arith.constant 0.000000e+00 : f32
      %max3A_927 = vector.broadcast %max3A_926 : f32 to vector<16xf32>
      %max3A_928 = arith.maximumf %add3A_925, %max3A_927 : vector<16xf32>
      %max3A_929 = arith.constant 1.000000e-30 : f32
      %max3A_930 = vector.broadcast %max3A_929 : f32 to vector<16xf32>
      %max3A_931 = arith.maximumf %max3A_928, %max3A_930 : vector<16xf32>
      %bitcast3A_932 = vector.bitcast %max3A_931 : vector<16xf32> to vector<16xi32>
      %shift_right_arithmetic3A_933 = arith.constant 1 : i32
      %shift_right_arithmetic3A_934 = vector.broadcast %shift_right_arithmetic3A_933 : i32 to vector<16xi32>
      %shift_right_arithmetic3A_935 = arith.shrsi %bitcast3A_932, %shift_right_arithmetic3A_934 : vector<16xi32>
      %sub3A_936 = arith.constant 1597463007 : i32
      %sub3A_937 = vector.broadcast %sub3A_936 : i32 to vector<16xi32>
      %sub3A_938 = arith.subi %sub3A_937, %shift_right_arithmetic3A_935 : vector<16xi32>
      %bitcast3A_939 = vector.bitcast %sub3A_938 : vector<16xi32> to vector<16xf32>
      %mul3A_940 = arith.constant 5.000000e-01 : f32
      %mul3A_941 = vector.broadcast %mul3A_940 : f32 to vector<16xf32>
      %mul3A_942 = arith.mulf %mul3A_941, %max3A_931 : vector<16xf32>
      %mul3A_943 = arith.mulf %mul3A_942, %bitcast3A_939 : vector<16xf32>
      %mul3A_944 = arith.mulf %mul3A_943, %bitcast3A_939 : vector<16xf32>
      %sub3A_945 = arith.constant 1.500000e+00 : f32
      %sub3A_946 = vector.broadcast %sub3A_945 : f32 to vector<16xf32>
      %sub3A_947 = arith.subf %sub3A_946, %mul3A_944 : vector<16xf32>
      %mul3A_948 = arith.mulf %bitcast3A_939, %sub3A_947 : vector<16xf32>
      %mul3A_949 = arith.constant 5.000000e-01 : f32
      %mul3A_950 = vector.broadcast %mul3A_949 : f32 to vector<16xf32>
      %mul3A_951 = arith.mulf %mul3A_950, %max3A_931 : vector<16xf32>
      %mul3A_952 = arith.mulf %mul3A_951, %mul3A_948 : vector<16xf32>
      %mul3A_953 = arith.mulf %mul3A_952, %mul3A_948 : vector<16xf32>
      %sub3A_954 = arith.constant 1.500000e+00 : f32
      %sub3A_955 = vector.broadcast %sub3A_954 : f32 to vector<16xf32>
      %sub3A_956 = arith.subf %sub3A_955, %mul3A_953 : vector<16xf32>
      %mul3A_957 = arith.mulf %mul3A_948, %sub3A_956 : vector<16xf32>
      %mul3A_958 = arith.constant 5.000000e-01 : f32
      %mul3A_959 = vector.broadcast %mul3A_958 : f32 to vector<16xf32>
      %mul3A_960 = arith.mulf %mul3A_959, %max3A_931 : vector<16xf32>
      %mul3A_961 = arith.mulf %mul3A_960, %mul3A_957 : vector<16xf32>
      %mul3A_962 = arith.mulf %mul3A_961, %mul3A_957 : vector<16xf32>
      %sub3A_963 = arith.constant 1.500000e+00 : f32
      %sub3A_964 = vector.broadcast %sub3A_963 : f32 to vector<16xf32>
      %sub3A_965 = arith.subf %sub3A_964, %mul3A_962 : vector<16xf32>
      %mul3A_966 = arith.mulf %mul3A_957, %sub3A_965 : vector<16xf32>
      %mul3A_967 = arith.mulf %max3A_928, %mul3A_966 : vector<16xf32>
      %mul3A_968 = arith.constant 5.000000e-01 : f32
      %mul3A_969 = vector.broadcast %mul3A_968 : f32 to vector<16xf32>
      %mul3A_970 = arith.mulf %mul3A_969, %mul3A_967 : vector<16xf32>
      %sub3A_971 = arith.constant 1.000000e+00 : f32
      %sub3A_972 = vector.broadcast %sub3A_971 : f32 to vector<16xf32>
      %sub3A_973 = arith.subf %sub3A_972, %mul3A_970 : vector<16xf32>
      %swap3A_974 = arith.index_cast %mul3A_283 : i32 to index
      %swap3A_975 = tpu.vector_load %arg20[%swap3A_974] {strides = array<i32>} : memref<512xf32, #tpu.memory_space<vmem>>, vector<16xf32>,
      tpu.vector_store %arg20[%swap3A_974], %sub3A_973 {strides = array<i32>} : memref<512xf32, #tpu.memory_space<vmem>>, vector<16xf32>,
      %mul3A_976 = arith.mulf %add3A_658, %select_n3A_837 : vector<16xf32>
      %mul3A_977 = arith.mulf %mul3A_976, %select_n3A_837 : vector<16xf32>
      %add3A_978 = arith.addf %mul3A_839, %mul3A_977 : vector<16xf32>
      %add3A_979 = vector.broadcast %scan3A_274 : f32 to vector<16xf32>
      %add3A_980 = arith.addf %add3A_978, %add3A_979 : vector<16xf32>
      %mul3A_981 = arith.constant 2.000000e+00 : f32
      %mul3A_982 = vector.broadcast %mul3A_981 : f32 to vector<16xf32>
      %mul3A_983 = arith.mulf %mul3A_982, %add3A_668 : vector<16xf32>
      %mul3A_984 = arith.mulf %mul3A_983, %select_n3A : vector<16xf32>
      %mul3A_985 = arith.mulf %mul3A_984, %select_n3A_837 : vector<16xf32>
      %sub3A_986 = arith.subf %add3A_980, %mul3A_985 : vector<16xf32>
      %mul3A_987 = arith.constant 2.000000e+00 : f32
      %mul3A_988 = arith.mulf %mul3A_987, %scan3A_275 : f32
      %mul3A_989 = arith.mulf %add3A_662, %select_n3A_837 : vector<16xf32>
      %sub3A_990 = arith.subf %mul3A_840, %mul3A_989 : vector<16xf32>
      %mul3A_991 = vector.broadcast %mul3A_988 : f32 to vector<16xf32>
      %mul3A_992 = arith.mulf %mul3A_991, %sub3A_990 : vector<16xf32>
      %add3A_993 = arith.addf %sub3A_986, %mul3A_992 : vector<16xf32>
      %max3A_994 = arith.constant 0.000000e+00 : f32
      %max3A_995 = vector.broadcast %max3A_994 : f32 to vector<16xf32>
      %max3A_996 = arith.maximumf %add3A_993, %max3A_995 : vector<16xf32>
      %max3A_997 = arith.constant 1.000000e-30 : f32
      %max3A_998 = vector.broadcast %max3A_997 : f32 to vector<16xf32>
      %max3A_999 = arith.maximumf %max3A_996, %max3A_998 : vector<16xf32>
      %bitcast3A_1000 = vector.bitcast %max3A_999 : vector<16xf32> to vector<16xi32>
      %shift_right_arithmetic3A_1001 = arith.constant 1 : i32
      %shift_right_arithmetic3A_1002 = vector.broadcast %shift_right_arithmetic3A_1001 : i32 to vector<16xi32>
      %shift_right_arithmetic3A_1003 = arith.shrsi %bitcast3A_1000, %shift_right_arithmetic3A_1002 : vector<16xi32>
      %sub3A_1004 = arith.constant 1597463007 : i32
      %sub3A_1005 = vector.broadcast %sub3A_1004 : i32 to vector<16xi32>
      %sub3A_1006 = arith.subi %sub3A_1005, %shift_right_arithmetic3A_1003 : vector<16xi32>
      %bitcast3A_1007 = vector.bitcast %sub3A_1006 : vector<16xi32> to vector<16xf32>
      %mul3A_1008 = arith.constant 5.000000e-01 : f32
      %mul3A_1009 = vector.broadcast %mul3A_1008 : f32 to vector<16xf32>
      %mul3A_1010 = arith.mulf %mul3A_1009, %max3A_999 : vector<16xf32>
      %mul3A_1011 = arith.mulf %mul3A_1010, %bitcast3A_1007 : vector<16xf32>
      %mul3A_1012 = arith.mulf %mul3A_1011, %bitcast3A_1007 : vector<16xf32>
      %sub3A_1013 = arith.constant 1.500000e+00 : f32
      %sub3A_1014 = vector.broadcast %sub3A_1013 : f32 to vector<16xf32>
      %sub3A_1015 = arith.subf %sub3A_1014, %mul3A_1012 : vector<16xf32>
      %mul3A_1016 = arith.mulf %bitcast3A_1007, %sub3A_1015 : vector<16xf32>
      %mul3A_1017 = arith.constant 5.000000e-01 : f32
      %mul3A_1018 = vector.broadcast %mul3A_1017 : f32 to vector<16xf32>
      %mul3A_1019 = arith.mulf %mul3A_1018, %max3A_999 : vector<16xf32>
      %mul3A_1020 = arith.mulf %mul3A_1019, %mul3A_1016 : vector<16xf32>
      %mul3A_1021 = arith.mulf %mul3A_1020, %mul3A_1016 : vector<16xf32>
      %sub3A_1022 = arith.constant 1.500000e+00 : f32
      %sub3A_1023 = vector.broadcast %sub3A_1022 : f32 to vector<16xf32>
      %sub3A_1024 = arith.subf %sub3A_1023, %mul3A_1021 : vector<16xf32>
      %mul3A_1025 = arith.mulf %mul3A_1016, %sub3A_1024 : vector<16xf32>
      %mul3A_1026 = arith.constant 5.000000e-01 : f32
      %mul3A_1027 = vector.broadcast %mul3A_1026 : f32 to vector<16xf32>
      %mul3A_1028 = arith.mulf %mul3A_1027, %max3A_999 : vector<16xf32>
      %mul3A_1029 = arith.mulf %mul3A_1028, %mul3A_1025 : vector<16xf32>
      %mul3A_1030 = arith.mulf %mul3A_1029, %mul3A_1025 : vector<16xf32>
      %sub3A_1031 = arith.constant 1.500000e+00 : f32
      %sub3A_1032 = vector.broadcast %sub3A_1031 : f32 to vector<16xf32>
      %sub3A_1033 = arith.subf %sub3A_1032, %mul3A_1030 : vector<16xf32>
      %mul3A_1034 = arith.mulf %mul3A_1025, %sub3A_1033 : vector<16xf32>
      %mul3A_1035 = arith.mulf %max3A_996, %mul3A_1034 : vector<16xf32>
      %mul3A_1036 = arith.constant 5.000000e-01 : f32
      %mul3A_1037 = vector.broadcast %mul3A_1036 : f32 to vector<16xf32>
      %mul3A_1038 = arith.mulf %mul3A_1037, %mul3A_1035 : vector<16xf32>
      %sub3A_1039 = arith.constant 1.000000e+00 : f32
      %sub3A_1040 = vector.broadcast %sub3A_1039 : f32 to vector<16xf32>
      %sub3A_1041 = arith.subf %sub3A_1040, %mul3A_1038 : vector<16xf32>
      %swap3A_1042 = arith.index_cast %mul3A_283 : i32 to index
      %swap3A_1043 = tpu.vector_load %arg21[%swap3A_1042] {strides = array<i32>} : memref<512xf32, #tpu.memory_space<vmem>>, vector<16xf32>,
      tpu.vector_store %arg21[%swap3A_1042], %sub3A_1041 {strides = array<i32>} : memref<512xf32, #tpu.memory_space<vmem>>, vector<16xf32>,
    }
    %scan3A_280 = arith.constant 32 : i32
    "tpu.region"() ({
      %run_scoped3A = tpu.sem_alloc : memref<!tpu.dma_semaphore, #tpu.memory_space<semaphore_mem>>
      %dma_start3A_281 = tpu.memref_slice %arg8[%mul3A_2] : memref<16384xf32, #tpu.memory_space<hbm>> -> memref<512xf32, #tpu.memory_space<hbm>>
      %dma_start3A_282 = tpu.memref_slice %arg8[%mul3A_2] : memref<16384xf32, #tpu.memory_space<hbm>> -> memref<512xf32, #tpu.memory_space<hbm>>
      tpu.enqueue_dma source(%arg19 : memref<512xf32, #tpu.memory_space<vmem>>) target(%dma_start3A_282 : memref<512xf32, #tpu.memory_space<hbm>>) target_semaphore(%run_scoped3A : memref<!tpu.dma_semaphore, #tpu.memory_space<semaphore_mem>>)
      %dma_wait3A_283 = tpu.memref_slice %arg8[%mul3A_2] : memref<16384xf32, #tpu.memory_space<hbm>> -> memref<512xf32, #tpu.memory_space<hbm>>
      %dma_wait3A_284 = tpu.memref_slice %arg8[%mul3A_2] : memref<16384xf32, #tpu.memory_space<hbm>> -> memref<512xf32, #tpu.memory_space<hbm>>
      tpu.wait_dma2 semaphore(%run_scoped3A : memref<!tpu.dma_semaphore, #tpu.memory_space<semaphore_mem>>) src(%arg19 : memref<512xf32, #tpu.memory_space<vmem>>) dst(%dma_wait3A_284 : memref<512xf32, #tpu.memory_space<hbm>>)
      tpu.yield
    }) : () -> ()
    "tpu.region"() ({
      %run_scoped3A = tpu.sem_alloc : memref<!tpu.dma_semaphore, #tpu.memory_space<semaphore_mem>>
      %dma_start3A_281 = tpu.memref_slice %arg9[%mul3A_2] : memref<16384xf32, #tpu.memory_space<hbm>> -> memref<512xf32, #tpu.memory_space<hbm>>
      %dma_start3A_282 = tpu.memref_slice %arg9[%mul3A_2] : memref<16384xf32, #tpu.memory_space<hbm>> -> memref<512xf32, #tpu.memory_space<hbm>>
      tpu.enqueue_dma source(%arg20 : memref<512xf32, #tpu.memory_space<vmem>>) target(%dma_start3A_282 : memref<512xf32, #tpu.memory_space<hbm>>) target_semaphore(%run_scoped3A : memref<!tpu.dma_semaphore, #tpu.memory_space<semaphore_mem>>)
      %dma_wait3A_283 = tpu.memref_slice %arg9[%mul3A_2] : memref<16384xf32, #tpu.memory_space<hbm>> -> memref<512xf32, #tpu.memory_space<hbm>>
      %dma_wait3A_284 = tpu.memref_slice %arg9[%mul3A_2] : memref<16384xf32, #tpu.memory_space<hbm>> -> memref<512xf32, #tpu.memory_space<hbm>>
      tpu.wait_dma2 semaphore(%run_scoped3A : memref<!tpu.dma_semaphore, #tpu.memory_space<semaphore_mem>>) src(%arg20 : memref<512xf32, #tpu.memory_space<vmem>>) dst(%dma_wait3A_284 : memref<512xf32, #tpu.memory_space<hbm>>)
      tpu.yield
    }) : () -> ()
    "tpu.region"() ({
      %run_scoped3A = tpu.sem_alloc : memref<!tpu.dma_semaphore, #tpu.memory_space<semaphore_mem>>
      %dma_start3A_281 = tpu.memref_slice %arg10[%mul3A_2] : memref<16384xf32, #tpu.memory_space<hbm>> -> memref<512xf32, #tpu.memory_space<hbm>>
      %dma_start3A_282 = tpu.memref_slice %arg10[%mul3A_2] : memref<16384xf32, #tpu.memory_space<hbm>> -> memref<512xf32, #tpu.memory_space<hbm>>
      tpu.enqueue_dma source(%arg21 : memref<512xf32, #tpu.memory_space<vmem>>) target(%dma_start3A_282 : memref<512xf32, #tpu.memory_space<hbm>>) target_semaphore(%run_scoped3A : memref<!tpu.dma_semaphore, #tpu.memory_space<semaphore_mem>>)
      %dma_wait3A_283 = tpu.memref_slice %arg10[%mul3A_2] : memref<16384xf32, #tpu.memory_space<hbm>> -> memref<512xf32, #tpu.memory_space<hbm>>
      %dma_wait3A_284 = tpu.memref_slice %arg10[%mul3A_2] : memref<16384xf32, #tpu.memory_space<hbm>> -> memref<512xf32, #tpu.memory_space<hbm>>
      tpu.wait_dma2 semaphore(%run_scoped3A : memref<!tpu.dma_semaphore, #tpu.memory_space<semaphore_mem>>) src(%arg21 : memref<512xf32, #tpu.memory_space<vmem>>) dst(%dma_wait3A_284 : memref<512xf32, #tpu.memory_space<hbm>>)
      tpu.yield
    }) : () -> ()
    return
  }
}

</mosaic_0001>

<sc_bundles>
// kernel: kernel.3.cloned.1.call-start
scs
__scs_entry_jumppad:
0x0: {  	(pc) =	sbr.rel $0x88, $3  }
0x1: {  	(tag) =	ssettag $0x0;
	lr =	simm.s32 $0x1  }
0x2: {  	[smem:$0x3F9B] =	sst lr;
	_ =	strace $0xD0000000  }
0x3: {  	_ = 	snop  }
0x4: {  	_ = 	snop  }
0x5: {  	_ = 	snop  }
0x6: {  	_ = 	snop  }
0x7: {  	_ = 	snop  }
__scs_overlays_trampoline_lowered:
0x8: {  	[smem:$0x3FAA] =	sst s0  }
0x9: {  	[smem:$0x3FAB] =	sst s1  }
0xa: {  	[smem:$0x3FAC] =	sst s2  }
0xb: {  	[smem:$0x3FAD] =	sst s3  }
0xc: {  	[smem:$0x3FAE] =	sst s4  }
0xd: {  	[smem:$0x3FAF] =	sst s5  }
0xe: {  	[smem:$0x3FB0] =	sst s6  }
0xf: {  	[smem:$0x3FB1] =	sst s7  }
0x10: {  	[smem:$0x3FB2] =	sst s8  }
0x11: {  	[smem:$0x3FB3] =	sst s9;
	s0 =	simm.s32 @!p0 $0x0  }
0x12: {  	s1 =	sld [smem:$0x3F99];
	s0 =	simm.s32 @p0 $0x1  }
0x13: {  	[smem:$0x3FB4] =	sst s0;
	s0 =	simm.s32 @!p1 $0x0  }
0x14: {  	s2 =	sld [smem:$0x3F98];
	s0 =	simm.s32 @p1 $0x1  }
0x15: {  	[smem:$0x3FB5] =	sst s0;
	s0 =	simm.s32 @!p2 $0x0  }
0x16: {  	s3 =	sld [smem:$0x3FDB];
	s0 =	simm.s32 @p2 $0x1  }
0x17: {  	s4 =	simm.s32 $0x1BF5;
	[smem:$0x3FB7] =	sst s0  }
0x18: {  	s0 =	sld [smem:$0x3F9A];
	_ =	swait.ge [sflag:s4], $0x0  }
0x19: {  	s7 =	sld [smem:$0x3F9B]  }
0x1a: {  	s8 =	sadd.s32 $0xFFFFE003, lr  }
0x1b: {  	s9 =	sadd.s32 $0xFFFFFEF7, lr;
	s5 =	simm.s32 $0xFFFFFFFF;
	p2 =	slt.u32 s8, $0xFFFFF086  }
0x1c: {  	p1 =	slt.u32 s9, $0xF7A;
	s5 =	simm.s32 @!p2 $0x0  }
0x1d: {  	s5 =	simm.s32 @p1 $0x1;
	p0 =	seq.s32 s7, s2  }
0x1e: {  	s7 =	smul.u32 @!p0 $0xF7A, s2;
	p2 =	seq.s32 @!p0 s5, $0x0  }
0x1f: {  	s9 =	smul.u32 $0xF7A, s1;
	s8 =	simm.s32 @!p0 $0x1BF5;
	p2 =	por !p2, p0  }
0x20: {  	[sflag:s8] =	ssyncset.s32 @!p0 $0xFFFFF086;
	s6 =	sadd.s32 @!p0 s3, s7;
	s7 =	simm.s32 @!p0 $0x108  }
0x21: {  	s3 =	sadd.s32 s3, s9;
	s6 =	sadd.s32 @!p0 $0x88, s6;
	s7 =	simm.s32 @p2 $0x1082  }
0x22: {  	[simem:s7], [sflag:s8] =	dma.local @!p0 [hbm:s6], $0xF7A  }
0x23: {  	s9 =	sor.u32 $0xD0000000, s2;
	s6 =	simm.s32 $0x108;
	_ =	swait.ge @!p0 [sflag:s8], $0x0  }
0x24: {  	s3 =	sadd.s32 $0x88, s3;
	s6 =	simm.s32 @!p1 $0x1082;
	[sflag:s4] =	ssyncset.s32 $0xFFFFF086  }
0x25: {  	[simem:s6], [sflag:s4] =	dma.local [hbm:s3], $0xF7A  }
0x26: {  	[smem:$0x3F9B] =	sst s1;
	(tag) =	ssettag s2;
	_ =	strace s9  }
0x27: {  	s1 =	sld [smem:$0x3FAB]  }
0x28: {  	s2 =	sld [smem:$0x3FAC]  }
0x29: {  	s4 =	sld [smem:$0x3FAE]  }
0x2a: {  	p0 =	seq.s32 s5, $0x0;
	s5 =	sld [smem:$0x3FAF]  }
0x2b: {  	s6 =	sld [smem:$0x3FB0]  }
0x2c: {  	s7 =	sld [smem:$0x3FB1]  }
0x2d: {  	s3 =	simm.s32 $0x108;
	s8 =	sld [smem:$0x3FB2]  }
0x2e: {  	s3 =	simm.s32 @!p0 $0x1082;
	s9 =	sld [smem:$0x3FB3]  }
0x2f: {  	lr =	sadd.s32 s0, s3;
	s0 =	sld [smem:$0x3FAA]  }
0x30: {  	s3 =	sld [smem:$0x3FAD]  }
0x31: {  	[smem:$0x3FB6] =	sst s10  }
0x32: {  	s10 =	sld [smem:$0x3FB4];
	_ =	sdelay $0x3  }
0x33: {  	p0 =	seq.s32 s10, $0x1;
	s10 =	sld [smem:$0x3FB6];
	_ =	sdelay $0x3  }
0x34: {  	[smem:$0x3FB6] =	sst s10  }
0x35: {  	s10 =	sld [smem:$0x3FB5];
	_ =	sdelay $0x3  }
0x36: {  	p1 =	seq.s32 s10, $0x1;
	s10 =	sld [smem:$0x3FB6];
	_ =	sdelay $0x3  }
0x37: {  	[smem:$0x3FB6] =	sst s10  }
0x38: {  	s10 =	sld [smem:$0x3FB7]  }
0x39: {  	_ = 	snop;
	(pc) =	sbr.ind lr, $3  }
0x3a: {  	_ = 	snop  }
0x3b: {  	_ = 	snop  }
0x3c: {  	p2 =	seq.s32 s10, $0x1;
	s10 =	sld [smem:$0x3FB6]  }
0x3d: {  	_ =	shalt  }
0x3e: {  	_ =	shalt  }
0x3f: {  	_ =	shalt  }
0x40: {  	_ =	shalt  }
0x41: {  	_ =	shalt  }
0x42: {  	_ =	shalt  }
0x43: {  	_ =	shalt  }
0x44: {  	_ =	shalt  }
0x45: {  	_ =	shalt  }
0x46: {  	_ =	shalt  }
0x47: {  	_ =	shalt  }
0x48: {  	_ =	shalt  }
0x49: {  	_ =	shalt  }
0x4a: {  	_ =	shalt  }
0x4b: {  	_ =	shalt  }
0x4c: {  	_ =	shalt  }
0x4d: {  	_ =	shalt  }
0x4e: {  	_ =	shalt  }
0x4f: {  	_ =	shalt  }
0x50: {  	_ =	shalt  }
0x51: {  	_ =	shalt  }
0x52: {  	_ =	shalt  }
0x53: {  	_ =	shalt  }
0x54: {  	_ =	shalt  }
0x55: {  	_ =	shalt  }
0x56: {  	_ =	shalt  }
0x57: {  	_ =	shalt  }
0x58: {  	_ =	shalt  }
0x59: {  	_ =	shalt  }
0x5a: {  	_ =	shalt  }
0x5b: {  	_ =	shalt  }
0x5c: {  	_ =	shalt  }
0x5d: {  	_ =	shalt  }
0x5e: {  	_ =	shalt  }
0x5f: {  	_ =	shalt  }
0x60: {  	_ =	shalt  }
0x61: {  	_ =	shalt  }
0x62: {  	_ =	shalt  }
0x63: {  	_ =	shalt  }
0x64: {  	_ =	shalt  }
0x65: {  	_ =	shalt  }
0x66: {  	_ =	shalt  }
0x67: {  	_ =	shalt  }
0x68: {  	_ =	shalt  }
0x69: {  	_ =	shalt  }
0x6a: {  	_ =	shalt  }
0x6b: {  	_ =	shalt  }
0x6c: {  	_ =	shalt  }
0x6d: {  	_ =	shalt  }
0x6e: {  	_ =	shalt  }
0x6f: {  	_ =	shalt  }
0x70: {  	_ =	shalt  }
0x71: {  	_ =	shalt  }
0x72: {  	_ =	shalt  }
0x73: {  	_ =	shalt  }
0x74: {  	_ =	shalt  }
0x75: {  	_ =	shalt  }
0x76: {  	_ =	shalt  }
0x77: {  	_ =	shalt  }
0x78: {  	_ =	shalt  }
0x79: {  	_ =	shalt  }
0x7a: {  	_ =	shalt  }
0x7b: {  	_ =	shalt  }
0x7c: {  	_ =	shalt  }
0x7d: {  	_ =	shalt  }
0x7e: {  	_ =	shalt  }
0x7f: {  	_ =	shalt  }
0x80: {  	_ =	shalt  }
0x81: {  	_ =	shalt  }
0x82: {  	_ =	shalt  }
0x83: {  	_ =	shalt  }
0x84: {  	_ =	shalt  }
0x85: {  	_ =	shalt  }
0x86: {  	_ =	shalt  }
0x87: {  	_ =	shalt  }
.Lfunc_end0:
.L_simem_size_0:
called_computation_lowered:
.L_overlay_start_0:
0x88: {  	s2 =	sld [smem:$0x3FD9]  }
0x89: {  	s3 =	sld [smem:$0x3FFE];
	_ =	sdelay $0x1  }
0x8a: {  	s1 =	srdreg.scid  }
0x8b: {  	s0 =	sand.u32 $0x1, s1  }
0x8c: {  	s14 =	sshll.u32 s0, $0xA;
	s2 =	sadd.s32 s3, s2  }
0x8d: {  	s2 =	sadd.s32 s2, s14  }
0x8e: {  	[smem:$0x3FC2] =	sst s2  }
0x8f: {  	_ = 	snop  }
0x90: {  	s2 =	sld [smem:$0x3FC9]  }
0x91: {  	s15 =	sld [smem:$0x3FD0]  }
0x92: {  	s4 =	sld [smem:$0x3FC8]  }
0x93: {  	s5 =	sld [smem:$0x3FC7]  }
0x94: {  	s7 =	simm.s32 $0xA;
	s8 =	simm.s32 $0x10;
	s6 =	sld [smem:$0x3FC6]  }
0x95: {  	[smem:s8], [sflag:s7] =	dma.local [hbm:s15], $0x1  }
0x96: {  	_ =	swait.eq [sflag:s7], $0x1  }
0x97: {  	s16 =	sld [smem:$0x10];
	[sflag:s7] =	ssyncset.done $0x0  }
0x98: {  	s17 =	sld [smem:$0x11];
	[sflag:s7] =	ssyncadd.s32 $0xFFFFFFFF  }
0x99: {  	s18 =	sld [smem:$0x12];
	(tm) =	ssettm $0x1  }
0x9a: {  	s9 =	sld [smem:$0x3FFB];
	_ =	sdelay $0x3  }
0x9b: {  	_ =	strace s9  }
0x9c: {  	s9 =	sld [smem:$0x3FFC];
	_ =	sdelay $0x3  }
0x9d: {  	_ =	strace s9  }
0x9e: {  	s9 =	sld [smem:$0x3FFD];
	_ =	sdelay $0x3  }
0x9f: {  	_ =	strace s9  }
0xa0: {  	_ =	strace $0x8FFFFFFF  }
0xa1: {  	s19 =	sld [smem:$0x3FDB];
	_ =	sdelay $0x1  }
0xa2: {  	s10 =	simm.s32 $_scs_section_size  }
0xa3: {  	s11 =	simm.s32 $_size__tile_overlayer_lowered;
	s12 =	simm.s32 $_tile_overlayer_lowered  }
0xa4: {  	s22 =	simm.s32 $0x1BFF;
	s21 =	sshll.u32 s12, $0x1;
	s9 =	sadd.s32 s10, s19  }
0xa5: {  	s13 =	simm.s32 $0x0;
	s20 =	sshll.u32 s11, $0x1;
	s11 =	sadd.s32 s21, s9  }
0xa6: {  	[timem:s13], [sflag:s22] =	dma.local [hbm:s11], s20  }
0xa7: {  	_ =	swait.ge [sflag:s22], s20  }
0xa8: {  	s10 =	ssub.s32 $0x0, s20;
	[sflag:s22] =	ssyncset.done $0x0  }
0xa9: {  	[sflag:s22] =	ssyncadd.s32 s10;
	_ =	sdelay $0x1  }
0xaa: {  	s23 =	simm.s32 $0x1B8B  }
0xab: {  	_ =	swait.ge [sflag:s23], $0x1  }
0xac: {  	[sflag:s23] =	ssyncset.done $0x0  }
0xad: {  	s25 =	simm.s32 $0x1B8E;
	s24 =	sld [smem:$0x3FFE];
	[sflag:s23] =	ssyncadd.s32 $0xFFFFFFFF  }
0xae: {  	s26 =	simm.s32 $execute0_lowered;
	[smem:$0x3FD2] =	sst s25  }
0xaf: {  	s11 =	sshll.u32 s26, $0x1;
	_ =	strace $0x80000046;
	[dreg:$0x1] =	wrdreg $0xFFFFFFFF  }
0xb0: {  	s28 =	simm.s32 $_size_execute0_lowered;
	s9 =	sadd.s32 s9, s11;
	[dreg:$0x0] =	wrdreg $0x0  }
0xb1: {  	s11 =	sshll.u32 s28, $0x1;
	[dreg:$0x2] =	wrdreg s9  }
0xb2: {  	[dreg:$0x3] =	wrdreg s11  }
0xb3: {  	[dreg:$0x4] =	wrdreg $0xC0  }
0xb4: {  	_ =	task [dreg:s13], $0x5FFFF  }
0xb5: {  	[dreg:$0x1] =	wrdreg $0xFFFFFFFF  }
0xb6: {  	[dreg:$0x0] =	wrdreg $0x60  }
0xb7: {  	[dreg:$0x2] =	wrdreg s2  }
0xb8: {  	[dreg:$0x3] =	wrdreg s4  }
0xb9: {  	[dreg:$0x4] =	wrdreg s5  }
0xba: {  	[dreg:$0x5] =	wrdreg s6  }
0xbb: {  	[dreg:$0x6] =	wrdreg s24  }
0xbc: {  	[dreg:$0x7] =	wrdreg s16  }
0xbd: {  	[dreg:$0x8] =	wrdreg s17  }
0xbe: {  	[dreg:$0x9] =	wrdreg s18  }
0xbf: {  	[dreg:$0xa] =	wrdreg $0x9  }
0xc0: {  	_ =	task.clear_ibuf [dreg:s13], $0xBFFFF;
	_ =	strace $0x90000046  }
0xc1: {  	s29 =	simm.s32 $0x9;
	_ =	strace $0x80000048  }
0xc2: {  	_ =	swait.ge [sflag:s29], $0x1  }
0xc3: {  	[sflag:s29] =	ssyncadd.s32 $0xFFFFFFFF  }
0xc4: {  	_ =	strace $0x90000048  }
0xc5: {  	_ =	sfence  }
0xc6: {  	s30 =	sld [smem:$0x0];
	_ =	sdelay $0x2  }
0xc7: {  	s31 =	sshll.u32 s1, $0xD;
	s1 =	sshrl.u32 s1, $0x2  }
0xc8: {  	s3 =	sand.u32 $0x4000, s31;
	s1 =	sadd.s32 s1, s30  }
0xc9: {  	s0 =	sor.u32 s3, s0;
	s1 =	sshll.u32 s1, $0x11  }
0xca: {  	s0 =	sor.u32 s1, s0  }
0xcb: {  	s0 =	sadd.s32 $0x8F2B, s0  }
0xcc: {  	[sflag:s0] =	ssyncadd.remote.s32 $0x1  }
0xcd: {  	_ =	sfence.sel $0xFFFF  }
0xce: {  	[dreg:$0x0] =	wrdreg $0xFFFFFFFF;
	(pc) =	sbr.abs _section_cstart, $3  }
0xcf: {  	[dreg:$0x1] =	wrdreg $0xFFFFFFFF  }
0xd0: {  	_ =	task.clear_ibuf [dreg:s13], $0x2FFFF;
	_ =	strace $0x9FFFFFFF  }
0xd1: {  	(tm) =	ssettm $0x7FFFFFFF  }
tec
execute0_lowered:
.L_overlay_start_1:
0x0: {  	(tag) =	ssettag $0x1  }
0x1: {  	s0 =	rddreg [dreg:$0x0]  }
0x2: {  	s2 =	rddreg [dreg:$0x1]  }
0x3: {  	s7 =	rddreg [dreg:$0x2]  }
0x4: {  	s8 =	rddreg [dreg:$0x3]  }
0x5: {  	s4 =	rddreg [dreg:$0x4]  }
0x6: {  	s9 =	rddreg [dreg:$0x5]  }
0x7: {  	s10 =	rddreg [dreg:$0x6]  }
0x8: {  	s11 =	rddreg [dreg:$0x7];
	s1 =	simm.s32 $0x0;
	s3 =	srdreg.scid  }
0x9: {  	s13 =	stileid.u32;
	s14 =	simm.s32 $0x400;
	s15 =	simm.s32 $0x600  }
0xa: {  	s16 =	simm.s32 $0x1;
	s17 =	simm.s32 $0x80;
	s18 =	simm.s32 $0x800  }
0xb: {  	s19 =	simm.s32 $0x2800;
	s20 =	simm.s32 $0x4800;
	s21 =	simm.s32 $0x6800  }
0xc: {  	s22 =	simm.s32 $0x8000;
	s23 =	simm.s32 $0x8800;
	s24 =	simm.s32 $0x2  }
0xd: {  	s25 =	simm.s32 $0x8A00;
	s26 =	simm.s32 $0x8C00;
	s28 =	simm.s32 $0x0  }
0xe: {  	[smem:$0x7FF] =	sst s1;
	s5 =	sand.u32 $0x1, s3;
	s3 =	sadd.s32 $0xF42C00, s4  }
0xf: {  	s13 =	sshll.u32 s13, $0x7;
	s6 =	ssub.s32 $0x2, s5;
	s5 =	sshll.u32 s5, $0x6  }
0x10: {  	s4 =	sadd.s32 $0x112B200, s4;
	s12 =	sshrl.u32 s6, $0x1;
	s13 =	sor.u32 s5, s13  }
0x11: {  	_ =	strace $0x80000047;
	s12 =	ssub.s32 s6, s12;
	s5 =	sadd.s32 s0, s13  }
0x12: {  	s6 =	sadd.s32 s2, s13;
	s7 =	sadd.s32 s7, s13;
	s8 =	sadd.s32 s8, s13  }
0x13: {  	v0 =	vlaneseq.u32;
	s9 =	sadd.s32 s9, s13;
	s10 =	sadd.s32 s10, s13;
	s11 =	sadd.s32 s11, s13  }
0x14: {  	v0 =	vmul.u32 $0x10, v0;
	s13 =	simm.s32 $0x200;
	s2 =	simm.s32 $0x780;
	s12 =	smax.u32 s12, $0x1  }
.LBB2_1:
0x15: {  	[tilespmem:s1], [sflag:$0x1] =	stream.linear.gather [hbm4b:s5+s1], $0x200, $0x38;
	[tilespmem:$0x8E00] =	vst v63  }
0x16: {  	_ = 	snop  }
0x17: {  	[tilespmem:s13], [sflag:$0x1] =	stream.linear.gather [hbm4b:s6+s1], $0x200, $0x38;
	[tilespmem:$0x8E00] =	vst v63  }
0x18: {  	_ = 	snop  }
0x19: {  	[tilespmem:s14], [sflag:$0x1] =	stream.linear.gather [hbm4b:s7+s1], $0x200, $0x38;
	[tilespmem:$0x8E00] =	vst v63  }
0x1a: {  	_ = 	snop  }
0x1b: {  	[tilespmem:s15], [sflag:$0x1] =	stream.linear.gather [hbm4b:s8+s1], $0x200, $0x38;
	[tilespmem:$0x8E00] =	vst v63  }
0x1c: {  	_ =	swait.ge [sflag:s16], $0x200  }
0x1d: {  	[sflag:s16] =	ssyncset.done $0x0  }
0x1e: {  	[sflag:s16] =	ssyncadd.s32 $0xFFFFFE00  }
0x1f: {  	_ =	swait.ge [sflag:s16], $0x200  }
0x20: {  	[sflag:s16] =	ssyncset.done $0x0  }
0x21: {  	[sflag:s16] =	ssyncadd.s32 $0xFFFFFE00  }
0x22: {  	_ =	swait.ge [sflag:s16], $0x200  }
0x23: {  	[sflag:s16] =	ssyncset.done $0x0  }
0x24: {  	[sflag:s16] =	ssyncadd.s32 $0xFFFFFE00  }
0x25: {  	_ =	swait.ge [sflag:s16], $0x200  }
0x26: {  	[sflag:s16] =	ssyncset.done $0x0  }
0x27: {  	[sflag:s16] =	ssyncadd.s32 $0xFFFFFE00  }
0x28: {  	[tilespmem:s18], [sflag:$0x1] =	stream.indirect.gather [hbm4b:s3+s17], $0x10, s1, s17, $0xb8;
	[tilespmem:$0x8E00] =	vst v63  }
0x29: {  	_ = 	snop  }
0x2a: {  	[tilespmem:s19], [sflag:$0x1] =	stream.indirect.gather [hbm4b:s4+s17], $0x10, s13, s17, $0xb8;
	[tilespmem:$0x8E00] =	vst v63  }
0x2b: {  	_ = 	snop  }
0x2c: {  	[tilespmem:s20], [sflag:$0x1] =	stream.indirect.gather [hbm4b:s4+s17], $0x10, s14, s17, $0xb8;
	[tilespmem:$0x8E00] =	vst v63  }
0x2d: {  	_ = 	snop  }
0x2e: {  	[tilespmem:s21], [sflag:$0x1] =	stream.indirect.gather [hbm4b:s4+s17], $0x10, s15, s17, $0xb8;
	[tilespmem:$0x8E00] =	vst v63  }
0x2f: {  	s0 =	simm.s32 $0x1000  }
0x30: {  	[tilespmem:s0], [sflag:$0x1] =	stream.indirect.gather [hbm4b:s3+s17], $0x10, s17, s17, $0xb8;
	[tilespmem:$0x8E00] =	vst v63  }
0x31: {  	s29 =	simm.s32 $0x3000;
	s0 =	simm.s32 $0x280  }
0x32: {  	[tilespmem:s29], [sflag:$0x1] =	stream.indirect.gather [hbm4b:s4+s17], $0x10, s0, s17, $0xb8;
	[tilespmem:$0x8E00] =	vst v63  }
0x33: {  	s0 =	simm.s32 $0x480;
	s29 =	simm.s32 $0x5000  }
0x34: {  	[tilespmem:s29], [sflag:$0x1] =	stream.indirect.gather [hbm4b:s4+s17], $0x10, s0, s17, $0xb8;
	[tilespmem:$0x8E00] =	vst v63  }
0x35: {  	s0 =	simm.s32 $0x680;
	s29 =	simm.s32 $0x7000  }
0x36: {  	[tilespmem:s29], [sflag:$0x1] =	stream.indirect.gather [hbm4b:s4+s17], $0x10, s0, s17, $0xb8;
	[tilespmem:$0x8E00] =	vst v63  }
0x37: {  	s0 =	simm.s32 $0x100;
	s29 =	simm.s32 $0x1800  }
0x38: {  	[tilespmem:s29], [sflag:$0x1] =	stream.indirect.gather [hbm4b:s3+s17], $0x10, s0, s17, $0xb8;
	[tilespmem:$0x8E00] =	vst v63  }
0x39: {  	s0 =	simm.s32 $0x300;
	s29 =	simm.s32 $0x3800  }
0x3a: {  	[tilespmem:s29], [sflag:$0x1] =	stream.indirect.gather [hbm4b:s4+s17], $0x10, s0, s17, $0xb8;
	[tilespmem:$0x8E00] =	vst v63  }
0x3b: {  	s0 =	simm.s32 $0x500;
	s29 =	simm.s32 $0x5800  }
0x3c: {  	[tilespmem:s29], [sflag:$0x1] =	stream.indirect.gather [hbm4b:s4+s17], $0x10, s0, s17, $0xb8;
	[tilespmem:$0x8E00] =	vst v63  }
0x3d: {  	s0 =	simm.s32 $0x700;
	s29 =	simm.s32 $0x7800  }
0x3e: {  	[tilespmem:s29], [sflag:$0x1] =	stream.indirect.gather [hbm4b:s4+s17], $0x10, s0, s17, $0xb8;
	[tilespmem:$0x8E00] =	vst v63  }
0x3f: {  	s0 =	simm.s32 $0x180;
	s29 =	simm.s32 $0x2000  }
0x40: {  	[tilespmem:s29], [sflag:$0x1] =	stream.indirect.gather [hbm4b:s3+s17], $0x10, s0, s17, $0xb8;
	[tilespmem:$0x8E00] =	vst v63  }
0x41: {  	s0 =	simm.s32 $0x380;
	s29 =	simm.s32 $0x4000  }
0x42: {  	[tilespmem:s29], [sflag:$0x1] =	stream.indirect.gather [hbm4b:s4+s17], $0x10, s0, s17, $0xb8;
	[tilespmem:$0x8E00] =	vst v63  }
0x43: {  	s0 =	simm.s32 $0x580;
	s29 =	simm.s32 $0x6000  }
0x44: {  	[tilespmem:s29], [sflag:$0x1] =	stream.indirect.gather [hbm4b:s4+s17], $0x10, s0, s17, $0xb8;
	[tilespmem:$0x8E00] =	vst v63  }
0x45: {  	_ = 	snop  }
0x46: {  	[tilespmem:s22], [sflag:$0x1] =	stream.indirect.gather [hbm4b:s4+s17], $0x10, s2, s17, $0xb8;
	[tilespmem:$0x8E00] =	vst v63  }
0x47: {  	_ =	swait.ge [sflag:s16], $0x800  }
0x48: {  	[sflag:s16] =	ssyncset.done $0x0  }
0x49: {  	[sflag:s16] =	ssyncadd.s32 $0xFFFFF800  }
0x4a: {  	_ =	swait.ge [sflag:s16], $0x800  }
0x4b: {  	[sflag:s16] =	ssyncset.done $0x0  }
0x4c: {  	[sflag:s16] =	ssyncadd.s32 $0xFFFFF800  }
0x4d: {  	_ =	swait.ge [sflag:s16], $0x800  }
0x4e: {  	[sflag:s16] =	ssyncset.done $0x0  }
0x4f: {  	[sflag:s16] =	ssyncadd.s32 $0xFFFFF800  }
0x50: {  	_ =	swait.ge [sflag:s16], $0x800  }
0x51: {  	[sflag:s16] =	ssyncset.done $0x0  }
0x52: {  	[sflag:s16] =	ssyncadd.s32 $0xFFFFF800  }
0x53: {  	_ =	swait.ge [sflag:s16], $0x800  }
0x54: {  	[sflag:s16] =	ssyncset.done $0x0  }
0x55: {  	[sflag:s16] =	ssyncadd.s32 $0xFFFFF800  }
0x56: {  	_ =	swait.ge [sflag:s16], $0x800  }
0x57: {  	[sflag:s16] =	ssyncset.done $0x0  }
0x58: {  	[sflag:s16] =	ssyncadd.s32 $0xFFFFF800  }
0x59: {  	_ =	swait.ge [sflag:s16], $0x800  }
0x5a: {  	[sflag:s16] =	ssyncset.done $0x0  }
0x5b: {  	[sflag:s16] =	ssyncadd.s32 $0xFFFFF800  }
0x5c: {  	_ =	swait.ge [sflag:s16], $0x800  }
0x5d: {  	[sflag:s16] =	ssyncset.done $0x0  }
0x5e: {  	[sflag:s16] =	ssyncadd.s32 $0xFFFFF800  }
0x5f: {  	_ =	swait.ge [sflag:s16], $0x800  }
0x60: {  	[sflag:s16] =	ssyncset.done $0x0  }
0x61: {  	[sflag:s16] =	ssyncadd.s32 $0xFFFFF800  }
0x62: {  	_ =	swait.ge [sflag:s16], $0x800  }
0x63: {  	[sflag:s16] =	ssyncset.done $0x0  }
0x64: {  	[sflag:s16] =	ssyncadd.s32 $0xFFFFF800  }
0x65: {  	_ =	swait.ge [sflag:s16], $0x800  }
0x66: {  	[sflag:s16] =	ssyncset.done $0x0  }
0x67: {  	[sflag:s16] =	ssyncadd.s32 $0xFFFFF800  }
0x68: {  	_ =	swait.ge [sflag:s16], $0x800  }
0x69: {  	[sflag:s16] =	ssyncset.done $0x0  }
0x6a: {  	[sflag:s16] =	ssyncadd.s32 $0xFFFFF800  }
0x6b: {  	_ =	swait.ge [sflag:s16], $0x800  }
0x6c: {  	[sflag:s16] =	ssyncset.done $0x0  }
0x6d: {  	[sflag:s16] =	ssyncadd.s32 $0xFFFFF800  }
0x6e: {  	_ =	swait.ge [sflag:s16], $0x800  }
0x6f: {  	[sflag:s16] =	ssyncset.done $0x0  }
0x70: {  	[sflag:s16] =	ssyncadd.s32 $0xFFFFF800  }
0x71: {  	_ =	swait.ge [sflag:s16], $0x800  }
0x72: {  	[sflag:s16] =	ssyncset.done $0x0  }
0x73: {  	[sflag:s16] =	ssyncadd.s32 $0xFFFFF800  }
0x74: {  	_ =	swait.ge [sflag:s16], $0x800  }
0x75: {  	s30 =	simm.s32 $0x8A00;
	s31 =	simm.s32 $0x8800;
	[sflag:s16] =	ssyncset.done $0x0  }
0x76: {  	s29 =	simm.s32 $0x8C00;
	s0 =	simm.s32 $0x0;
	[sflag:s16] =	ssyncadd.s32 $0xFFFFF800  }
.LBB2_2:
0x77: {  	v1 =	vmov s0  }
0x78: {  	v1 =	vshll.u32 v1, $0x4  }
0x79: {  	v1 =	vor.u32 v0, v1;
	_ =	sdelay $0x3  }
0x7a: {  	v2 =	vor.u32 $0x1, v1  }
0x7b: {  	v3 =	vld.idx.msk [tilespmem:v1+s18+$0x0], $0xffff  }
0x7c: {  	v4 =	vld.idx.msk [tilespmem:v1+s19+$0x0], $0xffff  }
0x7d: {  	v5 =	vld.idx.msk [tilespmem:v1+s20+$0x0], $0xffff  }
0x7e: {  	v11 =	vor.u32 $0x2, v1;
	v6 =	vld.idx.msk [tilespmem:v1+s21+$0x0], $0xffff  }
0x7f: {  	v7 =	vld.idx.msk [tilespmem:v2+s18+$0x0], $0xffff  }
0x80: {  	v8 =	vld.idx.msk [tilespmem:v2+s19+$0x0], $0xffff  }
0x81: {  	v10 =	vld.idx.msk [tilespmem:v2+s20+$0x0], $0xffff  }
0x82: {  	v24 =	vor.u32 $0x3, v1;
	v2 =	vld.idx.msk [tilespmem:v2+s21+$0x0], $0xffff  }
0x83: {  	v20 =	vld.idx.msk [tilespmem:v11+s18+$0x0], $0xffff  }
0x84: {  	v23 =	vld.idx.msk [tilespmem:v11+s19+$0x0], $0xffff  }
0x85: {  	v63 =	vld.idx.msk [tilespmem:v11+s20+$0x0], $0xffff;
	v9 =	vmul.f32 v3, v3  }
0x86: {  	v33 =	vor.u32 $0x4, v1;
	v11 =	vld.idx.msk [tilespmem:v11+s21+$0x0], $0xffff;
	v12 =	vmul.f32 v4, v4;
	v13 =	vmul.f32 v5, v5  }
0x87: {  	v28 =	vld.idx.msk [tilespmem:v24+s18+$0x0], $0xffff;
	v14 =	vmul.f32 v6, v6;
	v15 =	vadd.f32 $0.0e+00, v3;
	v16 =	vmul.f32 v4, v3  }
0x88: {  	v30 =	vld.idx.msk [tilespmem:v24+s19+$0x0], $0xffff;
	v17 =	vadd.f32 $0.0e+00, v5;
	v5 =	vmul.f32 v5, v3;
	v3 =	vmul.f32 v6, v3  }
0x89: {  	v32 =	vld.idx.msk [tilespmem:v24+s20+$0x0], $0xffff;
	v61 =	vmul.f32 v7, v7;
	v19 =	vmul.f32 v8, v8  }
0x8a: {  	v35 =	vld.idx.msk [tilespmem:v24+s21+$0x0], $0xffff;
	v21 =	vmul.f32 v10, v10;
	v22 =	vmul.f32 v2, v2  }
0x8b: {  	v45 =	vor.u32 $0x5, v1;
	v25 =	vmul.f32 v20, v20;
	v26 =	vmul.f32 v23, v23  }
0x8c: {  	v42 =	vld.idx.msk [tilespmem:v33+s18+$0x0], $0xffff;
	v24 =	vor.u32 $0x6, v1;
	v27 =	vmul.f32 v63, v63;
	v29 =	vmul.f32 v11, v11  }
0x8d: {  	v4 =	vadd.f32 $0.0e+00, v4;
	v36 =	vmul.f32 v23, v20;
	v37 =	vmul.f32 v63, v20  }
0x8e: {  	v18 =	vadd.f32 $0.0e+00, v6;
	v39 =	vmul.f32 v28, v28;
	v40 =	vmul.f32 v30, v30  }
0x8f: {  	v41 =	vmul.f32 v32, v32;
	v43 =	vmul.f32 v35, v35;
	v16 =	vadd.f32 $0.0e+00, v16  }
0x90: {  	v44 =	vld.idx.msk [tilespmem:v33+s19+$0x0], $0xffff;
	v47 =	vmul.f32 v32, v28;
	v5 =	vadd.f32 $0.0e+00, v5;
	v3 =	vadd.f32 $0.0e+00, v3  }
0x91: {  	v46 =	vld.idx.msk [tilespmem:v33+s20+$0x0], $0xffff;
	v49 =	vmul.f32 v42, v42;
	v15 =	vadd.f32 v7, v15;
	v4 =	vadd.f32 v8, v4  }
0x92: {  	v8 =	vmul.f32 v8, v7;
	v17 =	vadd.f32 v10, v17;
	v18 =	vadd.f32 v2, v18  }
0x93: {  	v50 =	vld.idx.msk [tilespmem:v45+s18+$0x0], $0xffff;
	v10 =	vmul.f32 v10, v7;
	v6 =	vadd.f32 v61, v9;
	v62 =	vadd.f32 v19, v12  }
0x94: {  	v2 =	vmul.f32 v2, v7;
	v13 =	vadd.f32 v21, v13;
	v14 =	vadd.f32 v22, v14  }
0x95: {  	v51 =	vmul.f32 v44, v44;
	v8 =	vadd.f32 v8, v16;
	v5 =	vadd.f32 v10, v5  }
0x96: {  	v53 =	vld.idx.msk [tilespmem:v45+s19+$0x0], $0xffff;
	v52 =	vmul.f32 v46, v46;
	v2 =	vadd.f32 v2, v3;
	v34 =	vadd.f32 v20, v15  }
0x97: {  	v58 =	vmul.f32 v44, v42;
	v4 =	vadd.f32 v23, v4;
	v12 =	vadd.f32 v63, v17  }
0x98: {  	v60 =	vmul.f32 v50, v50;
	v38 =	vadd.f32 v11, v18;
	v3 =	vadd.f32 v25, v6  }
0x99: {  	v55 =	vld.idx.msk [tilespmem:v45+s20+$0x0], $0xffff;
	v11 =	vmul.f32 v11, v20;
	v9 =	vadd.f32 v26, v62;
	v31 =	vadd.f32 v27, v13  }
0x9a: {  	v56 =	vld.idx.msk [tilespmem:v45+s21+$0x0], $0xffff;
	v7 =	vmul.f32 v30, v28;
	v6 =	vadd.f32 v29, v14;
	v8 =	vadd.f32 v36, v8  }
0x9b: {  	v61 =	vmul.f32 v53, v53;
	v5 =	vadd.f32 v37, v5;
	v2 =	vadd.f32 v11, v2  }
0x9c: {  	v19 =	vmul.f32 v53, v50;
	v14 =	vadd.f32 v28, v34;
	v4 =	vadd.f32 v30, v4  }
0x9d: {  	v15 =	vmul.f32 v35, v28;
	v12 =	vadd.f32 v32, v12;
	v48 =	vadd.f32 v35, v38  }
0x9e: {  	v63 =	vmul.f32 v55, v55;
	v3 =	vadd.f32 v39, v3;
	v9 =	vadd.f32 v40, v9  }
0x9f: {  	v16 =	vld.idx.msk [tilespmem:v33+s21+$0x0], $0xffff;
	v25 =	vmul.f32 v56, v56;
	v10 =	vadd.f32 v41, v31;
	v6 =	vadd.f32 v43, v6  }
0xa0: {  	v11 =	vmul.f32 v46, v42;
	v7 =	vadd.f32 v7, v8;
	v5 =	vadd.f32 v47, v5  }
0xa1: {  	v28 =	vor.u32 $0x7, v1;
	v2 =	vadd.f32 v15, v2;
	v57 =	vadd.f32 v42, v14  }
0xa2: {  	v62 =	vld.idx.msk [tilespmem:v24+s18+$0x0], $0xffff;
	v30 =	vmul.f32 v55, v50;
	v4 =	vadd.f32 v44, v4;
	v12 =	vadd.f32 v46, v12  }
0xa3: {  	v26 =	vld.idx.msk [tilespmem:v24+s19+$0x0], $0xffff;
	v38 =	vor.u32 $0x8, v1;
	v3 =	vadd.f32 v49, v3;
	v9 =	vadd.f32 v51, v9  }
0xa4: {  	v27 =	vld.idx.msk [tilespmem:v24+s20+$0x0], $0xffff;
	v15 =	vmul.f32 v56, v50;
	v10 =	vadd.f32 v52, v10;
	v13 =	vadd.f32 v16, v48  }
0xa5: {  	v29 =	vld.idx.msk [tilespmem:v24+s21+$0x0], $0xffff;
	v54 =	vmul.f32 v16, v16;
	v7 =	vadd.f32 v58, v7;
	v5 =	vadd.f32 v11, v5  }
0xa6: {  	v59 =	vmul.f32 v16, v42;
	v8 =	vadd.f32 v50, v57;
	v4 =	vadd.f32 v53, v4  }
0xa7: {  	v12 =	vadd.f32 v55, v12;
	v31 =	vmul.f32 v62, v62;
	v6 =	vadd.f32 v54, v6  }
0xa8: {  	v32 =	vmul.f32 v26, v26;
	v2 =	vadd.f32 v59, v2;
	v3 =	vadd.f32 v60, v3  }
0xa9: {  	v33 =	vmul.f32 v27, v27;
	v9 =	vadd.f32 v61, v9;
	v10 =	vadd.f32 v63, v10  }
0xaa: {  	v35 =	vmul.f32 v29, v29;
	v13 =	vadd.f32 v56, v13;
	v34 =	vld.idx.msk [tilespmem:v28+s18+$0x0], $0xffff;
	v7 =	vadd.f32 v19, v7  }
0xab: {  	v40 =	vmul.f32 v26, v62;
	v36 =	vld.idx.msk [tilespmem:v28+s19+$0x0], $0xffff;
	v5 =	vadd.f32 v30, v5;
	v8 =	vadd.f32 v62, v8  }
0xac: {  	v41 =	vmul.f32 v27, v62;
	v37 =	vld.idx.msk [tilespmem:v28+s20+$0x0], $0xffff;
	v4 =	vadd.f32 v26, v4;
	v11 =	vadd.f32 v27, v12  }
0xad: {  	v43 =	vmul.f32 v29, v62;
	v39 =	vld.idx.msk [tilespmem:v28+s21+$0x0], $0xffff;
	v6 =	vadd.f32 v25, v6;
	v2 =	vadd.f32 v15, v2  }
0xae: {  	v50 =	vor.u32 $0x9, v1;
	v3 =	vadd.f32 v31, v3;
	v9 =	vadd.f32 v32, v9  }
0xaf: {  	v62 =	vor.u32 $0xA, v1;
	v10 =	vadd.f32 v33, v10;
	v42 =	vadd.f32 v29, v13  }
0xb0: {  	v47 =	vld.idx.msk [tilespmem:v38+s18+$0x0], $0xffff;
	v33 =	vor.u32 $0xB, v1;
	v7 =	vadd.f32 v40, v7;
	v5 =	vadd.f32 v41, v5  }
0xb1: {  	v49 =	vld.idx.msk [tilespmem:v38+s19+$0x0], $0xffff;
	v6 =	vadd.f32 v35, v6;
	v44 =	vmul.f32 v34, v34;
	v45 =	vmul.f32 v36, v36  }
0xb2: {  	v51 =	vld.idx.msk [tilespmem:v38+s20+$0x0], $0xffff;
	v2 =	vadd.f32 v43, v2;
	v46 =	vmul.f32 v37, v37;
	v48 =	vmul.f32 v39, v39  }
0xb3: {  	v52 =	vld.idx.msk [tilespmem:v38+s21+$0x0], $0xffff;
	v8 =	vadd.f32 v34, v8;
	v4 =	vadd.f32 v36, v4;
	v53 =	vmul.f32 v36, v34  }
0xb4: {  	v54 =	vmul.f32 v37, v34;
	v11 =	vadd.f32 v37, v11;
	v12 =	vadd.f32 v39, v42  }
0xb5: {  	v15 =	vmul.f32 v39, v34;
	v55 =	vmul.f32 v47, v47;
	v3 =	vadd.f32 v44, v3  }
0xb6: {  	v57 =	vmul.f32 v49, v49;
	v9 =	vadd.f32 v45, v9;
	v10 =	vadd.f32 v46, v10  }
0xb7: {  	v56 =	vld.idx.msk [tilespmem:v50+s18+$0x0], $0xffff;
	v58 =	vmul.f32 v51, v51;
	v6 =	vadd.f32 v48, v6;
	v7 =	vadd.f32 v53, v7  }
0xb8: {  	v59 =	vld.idx.msk [tilespmem:v50+s19+$0x0], $0xffff;
	v60 =	vmul.f32 v52, v52;
	v5 =	vadd.f32 v54, v5;
	v2 =	vadd.f32 v15, v2  }
0xb9: {  	v61 =	vld.idx.msk [tilespmem:v50+s20+$0x0], $0xffff;
	v25 =	vmul.f32 v49, v47;
	v8 =	vadd.f32 v47, v8;
	v4 =	vadd.f32 v49, v4  }
0xba: {  	v63 =	vld.idx.msk [tilespmem:v50+s21+$0x0], $0xffff;
	v13 =	vmul.f32 v51, v47;
	v11 =	vadd.f32 v51, v11;
	v12 =	vadd.f32 v52, v12  }
0xbb: {  	v14 =	vmul.f32 v52, v47;
	v3 =	vadd.f32 v55, v3;
	v9 =	vadd.f32 v57, v9  }
0xbc: {  	v45 =	vor.u32 $0xC, v1;
	v10 =	vadd.f32 v58, v10;
	v6 =	vadd.f32 v60, v6  }
0xbd: {  	v28 =	vld.idx.msk [tilespmem:v62+s18+$0x0], $0xffff;
	v54 =	vor.u32 $0xD, v1;
	v7 =	vadd.f32 v25, v7;
	v5 =	vadd.f32 v13, v5  }
0xbe: {  	v31 =	vld.idx.msk [tilespmem:v62+s19+$0x0], $0xffff;
	v26 =	vmul.f32 v56, v56;
	v27 =	vmul.f32 v59, v59;
	v2 =	vadd.f32 v14, v2  }
0xbf: {  	v32 =	vld.idx.msk [tilespmem:v62+s20+$0x0], $0xffff;
	v29 =	vmul.f32 v61, v61;
	v30 =	vmul.f32 v63, v63;
	v8 =	vadd.f32 v56, v8  }
0xc0: {  	v34 =	vld.idx.msk [tilespmem:v62+s21+$0x0], $0xffff;
	v4 =	vadd.f32 v59, v4;
	v35 =	vmul.f32 v59, v56;
	v11 =	vadd.f32 v61, v11  }
0xc1: {  	v12 =	vadd.f32 v63, v12;
	v36 =	vmul.f32 v61, v56;
	v3 =	vadd.f32 v26, v3  }
0xc2: {  	v15 =	vmul.f32 v63, v56;
	v9 =	vadd.f32 v27, v9;
	v10 =	vadd.f32 v29, v10  }
0xc3: {  	v58 =	vor.u32 $0xE, v1;
	v6 =	vadd.f32 v30, v6;
	v7 =	vadd.f32 v35, v7  }
0xc4: {  	v40 =	vld.idx.msk [tilespmem:v33+s18+$0x0], $0xffff;
	v37 =	vmul.f32 v28, v28;
	v5 =	vadd.f32 v36, v5;
	v38 =	vmul.f32 v31, v31  }
0xc5: {  	v42 =	vld.idx.msk [tilespmem:v33+s19+$0x0], $0xffff;
	v39 =	vmul.f32 v32, v32;
	v2 =	vadd.f32 v15, v2;
	v41 =	vmul.f32 v34, v34  }
0xc6: {  	v43 =	vld.idx.msk [tilespmem:v33+s20+$0x0], $0xffff;
	v8 =	vadd.f32 v28, v8;
	v4 =	vadd.f32 v31, v4;
	v46 =	vmul.f32 v31, v28  }
0xc7: {  	v44 =	vld.idx.msk [tilespmem:v33+s21+$0x0], $0xffff;
	v47 =	vmul.f32 v32, v28;
	v11 =	vadd.f32 v32, v11;
	v12 =	vadd.f32 v34, v12  }
0xc8: {  	v48 =	vmul.f32 v34, v28;
	v26 =	vor.u32 $0xF, v1;
	v3 =	vadd.f32 v37, v3  }
0xc9: {  	v49 =	vmul.f32 v40, v40;
	v9 =	vadd.f32 v38, v9;
	v10 =	vadd.f32 v39, v10  }
0xca: {  	v50 =	vmul.f32 v42, v42;
	v53 =	vld.idx.msk [tilespmem:v45+s18+$0x0], $0xffff;
	v6 =	vadd.f32 v41, v6;
	v7 =	vadd.f32 v46, v7  }
0xcb: {  	v51 =	vmul.f32 v43, v43;
	v55 =	vld.idx.msk [tilespmem:v45+s19+$0x0], $0xffff;
	v5 =	vadd.f32 v47, v5;
	v2 =	vadd.f32 v48, v2  }
0xcc: {  	v52 =	vmul.f32 v44, v44;
	v56 =	vld.idx.msk [tilespmem:v45+s20+$0x0], $0xffff;
	v8 =	vadd.f32 v40, v8;
	v4 =	vadd.f32 v42, v4  }
0xcd: {  	v17 =	vmul.f32 v42, v40;
	v16 =	vld.idx.msk [tilespmem:v45+s21+$0x0], $0xffff;
	v11 =	vadd.f32 v43, v11;
	v12 =	vadd.f32 v44, v12  }
0xce: {  	v57 =	vmul.f32 v43, v40;
	v60 =	vld.idx.msk [tilespmem:v54+s19+$0x0], $0xffff;
	v3 =	vadd.f32 v49, v3;
	v9 =	vadd.f32 v50, v9  }
0xcf: {  	v15 =	vmul.f32 v44, v40;
	v25 =	vld.idx.msk [tilespmem:v54+s20+$0x0], $0xffff;
	v10 =	vadd.f32 v51, v10;
	v6 =	vadd.f32 v52, v6  }
0xd0: {  	v63 =	vld.idx.msk [tilespmem:v54+s21+$0x0], $0xffff;
	v7 =	vadd.f32 v17, v7;
	v5 =	vadd.f32 v57, v5;
	v59 =	vmul.f32 v53, v53  }
0xd1: {  	v18 =	vld.idx.msk [tilespmem:v58+s18+$0x0], $0xffff;
	v2 =	vadd.f32 v15, v2;
	v61 =	vmul.f32 v55, v55;
	v62 =	vmul.f32 v56, v56  }
0xd2: {  	v21 =	vld.idx.msk [tilespmem:v58+s19+$0x0], $0xffff;
	v1 =	vmul.f32 v16, v16;
	v8 =	vadd.f32 v53, v8;
	v4 =	vadd.f32 v55, v4  }
0xd3: {  	v36 =	vld.idx.msk [tilespmem:v58+s20+$0x0], $0xffff;
	v13 =	vmul.f32 v55, v53;
	v35 =	vmul.f32 v56, v53;
	v11 =	vadd.f32 v56, v11  }
0xd4: {  	v19 =	vld.idx.msk [tilespmem:v58+s21+$0x0], $0xffff;
	v12 =	vadd.f32 v16, v12;
	v37 =	vmul.f32 v16, v53;
	v39 =	vmul.f32 v60, v60  }
0xd5: {  	v17 =	vld.idx.msk [tilespmem:v54+s18+$0x0], $0xffff;
	v40 =	vmul.f32 v25, v25;
	v3 =	vadd.f32 v59, v3;
	v9 =	vadd.f32 v61, v9  }
0xd6: {  	v41 =	vmul.f32 v63, v63;
	v10 =	vadd.f32 v62, v10;
	v6 =	vadd.f32 v1, v6  }
0xd7: {  	v7 =	vadd.f32 v13, v7;
	v5 =	vadd.f32 v35, v5;
	v42 =	vmul.f32 v18, v18  }
0xd8: {  	v22 =	vld.idx.msk [tilespmem:v26+s20+$0x0], $0xffff;
	v2 =	vadd.f32 v37, v2;
	v43 =	vmul.f32 v21, v21;
	v45 =	vmul.f32 v36, v36  }
0xd9: {  	v16 =	vld.idx.msk [tilespmem:v26+s19+$0x0], $0xffff;
	v4 =	vadd.f32 v60, v4;
	v49 =	vmul.f32 v19, v19;
	v11 =	vadd.f32 v25, v11  }
0xda: {  	v1 =	vld.idx.msk [tilespmem:v26+s18+$0x0], $0xffff;
	v12 =	vadd.f32 v63, v12;
	v24 =	vmul.f32 v36, v18;
	v38 =	vmul.f32 v17, v17  }
0xdb: {  	v48 =	vld.idx.msk [tilespmem:v26+s21+$0x0], $0xffff;
	v47 =	vmul.f32 v60, v17;
	v25 =	vmul.f32 v25, v17;
	v8 =	vadd.f32 v17, v8  }
0xdc: {  	v15 =	vmul.f32 v63, v17;
	v9 =	vadd.f32 v39, v9;
	v10 =	vadd.f32 v40, v10  }
0xdd: {  	v6 =	vadd.f32 v41, v6;
	v50 =	vmul.f32 v22, v22;
	v3 =	vadd.f32 v38, v3  }
0xde: {  	v4 =	vadd.f32 v21, v4;
	v46 =	vmul.f32 v16, v16;
	v9 =	vadd.f32 v43, v9  }
0xdf: {  	v11 =	vadd.f32 v36, v11;
	v3 =	vadd.f32 v42, v3;
	v44 =	vmul.f32 v1, v1  }
0xe0: {  	v53 =	vmul.f32 v48, v48;
	v12 =	vadd.f32 v19, v12;
	v9 =	vadd.f32 v46, v9  }
0xe1: {  	v21 =	vmul.f32 v21, v18;
	v7 =	vadd.f32 v47, v7;
	v3 =	vadd.f32 v44, v3  }
0xe2: {  	v10 =	vadd.f32 v45, v10;
	v6 =	vadd.f32 v49, v6;
	v28 =	vmax.f32 v9, $1.000000020e-24  }
0xe3: {  	v51 =	vmax.f32 v3, $1.000000020e-24;
	v29 =	vshra.s32 v28, $0x1;
	v28 =	vmul.f32 $5.000000000e-01, v28  }
0xe4: {  	v27 =	vshra.s32 v51, $0x1;
	v26 =	vmul.f32 $5.000000000e-01, v51;
	v29 =	vsub.s32 $0x5F3759DF, v29  }
0xe5: {  	v10 =	vadd.f32 v50, v10;
	v27 =	vsub.s32 $0x5F3759DF, v27;
	v30 =	vmul.f32 v29, v28  }
0xe6: {  	v8 =	vadd.f32 v18, v8;
	v6 =	vadd.f32 v53, v6;
	v52 =	vmul.f32 v27, v26  }
0xe7: {  	v18 =	vmul.f32 v19, v18;
	v56 =	vmax.f32 v10, $1.000000020e-24;
	v55 =	vmul.f32 v29, v30  }
0xe8: {  	v31 =	vmax.f32 v6, $1.000000020e-24;
	v57 =	vshra.s32 v56, $0x1;
	v54 =	vmul.f32 v27, v52  }
0xe9: {  	v23 =	vmul.f32 $5.000000000e-01, v56;
	v59 =	vshra.s32 v31, $0x1;
	v20 =	vsub.f32 $1.500000000e+00, v55  }
0xea: {  	v31 =	vmul.f32 $5.000000000e-01, v31;
	v30 =	vsub.s32 $0x5F3759DF, v57;
	v13 =	vsub.f32 $1.500000000e+00, v54  }
0xeb: {  	v58 =	vmul.f32 v30, v23;
	v20 =	vmul.f32 v29, v20;
	v29 =	vsub.s32 $0x5F3759DF, v59  }
0xec: {  	v5 =	vadd.f32 v25, v5;
	v13 =	vmul.f32 v27, v13;
	v33 =	vmul.f32 v29, v31  }
0xed: {  	v2 =	vadd.f32 v15, v2;
	v27 =	vmul.f32 v30, v58;
	v60 =	vmul.f32 v20, v28  }
0xee: {  	v4 =	vadd.f32 v16, v4;
	v32 =	vmul.f32 v13, v26;
	v33 =	vmul.f32 v29, v33  }
0xef: {  	v16 =	vmul.f32 v16, v1;
	v27 =	vsub.f32 $1.500000000e+00, v27;
	v25 =	vmul.f32 v60, v20  }
0xf0: {  	v8 =	vadd.f32 v1, v8;
	v32 =	vmul.f32 v32, v13;
	v63 =	vsub.f32 $1.500000000e+00, v33  }
0xf1: {  	v44 =	vmul.f32 v22, v1;
	v61 =	vmul.f32 v30, v27;
	v25 =	vsub.f32 $1.500000000e+00, v25  }
0xf2: {  	v1 =	vmul.f32 v48, v1;
	v62 =	vsub.f32 $1.500000000e+00, v32;
	v33 =	vmul.f32 v29, v63  }
0xf3: {  	v7 =	vadd.f32 v21, v7;
	v32 =	vmul.f32 v61, v23;
	v20 =	vmul.f32 v25, v20  }
0xf4: {  	v5 =	vadd.f32 v24, v5;
	v13 =	vmul.f32 v62, v13;
	v34 =	vmul.f32 v33, v31  }
0xf5: {  	v2 =	vadd.f32 v18, v2;
	v15 =	vmul.f32 v32, v61;
	v36 =	vmul.f32 v20, v28  }
0xf6: {  	v7 =	vadd.f32 v16, v7;
	v35 =	vmul.f32 v13, v26;
	v37 =	vmul.f32 v34, v33  }
0xf7: {  	vm13 =	vgt.f32 v9, $1.000000020e-24;
	v15 =	vsub.f32 $1.500000000e+00, v15;
	v39 =	vmul.f32 v36, v20  }
0xf8: {  	vm14 =	vgt.f32 v10, $1.000000020e-24;
	v38 =	vmul.f32 v35, v13;
	v17 =	vsub.f32 $1.500000000e+00, v37  }
0xf9: {  	vm0 =	vgt.f32 v3, $1.000000020e-24;
	v15 =	vmul.f32 v15, v61;
	v19 =	vsub.f32 $1.500000000e+00, v39  }
0xfa: {  	v5 =	vadd.f32 v44, v5;
	v18 =	vsub.f32 $1.500000000e+00, v38;
	v40 =	vmul.f32 v17, v33  }
0xfb: {  	v7 =	vadd.f32 v7, v7;
	v41 =	vmul.f32 v15, v23;
	v42 =	vmul.f32 v19, v20  }
0xfc: {  	v1 =	vadd.f32 v1, v2;
	v13 =	vmul.f32 v18, v13;
	v43 =	vmul.f32 v40, v31  }
0xfd: {  	v5 =	vadd.f32 v5, v5;
	v17 =	vmul.f32 v41, v15;
	v18 =	vnsel vm13, $0x5368D4A5, v42  }
0xfe: {  	v13 =	vnsel vm0, $0x5368D4A5, v13;
	v19 =	vmul.f32 v43, v40;
	v9 =	vmul.f32 v18, v9  }
0xff: {  	v17 =	vsub.f32 $1.500000000e+00, v17;
	v4 =	vmul.f32 v18, v4;
	v3 =	vmul.f32 v13, v3  }
0x100: {  	v7 =	vmul.f32 v13, v7;
	v8 =	vmul.f32 v13, v8;
	v45 =	vsub.f32 $1.500000000e+00, v19  }
0x101: {  	v1 =	vadd.f32 v1, v1;
	v15 =	vmul.f32 v17, v15;
	v9 =	vmul.f32 v9, v18  }
0x102: {  	vm15 =	vgt.f32 v6, $1.000000020e-24;
	v3 =	vmul.f32 v3, v13;
	v16 =	vmul.f32 v45, v40  }
0x103: {  	v5 =	vmul.f32 v13, v5;
	v1 =	vmul.f32 v13, v1;
	v15 =	vnsel vm14, $0x5368D4A5, v15  }
0x104: {  	v9 =	vadd.f32 v9, v3;
	v10 =	vmul.f32 v15, v10;
	v2 =	vnsel vm15, $0x5368D4A5, v16  }
0x105: {  	v11 =	vadd.f32 v22, v11;
	v7 =	vmul.f32 v18, v7;
	v6 =	vmul.f32 v2, v6  }
0x106: {  	v4 =	vsub.f32 v8, v4;
	v9 =	vadd.f32 $1.599999990e-11, v9;
	v10 =	vmul.f32 v10, v15  }
0x107: {  	v46 =	vadd.f32 v48, v12;
	v48 =	vmul.f32 v15, v11;
	v6 =	vmul.f32 v6, v2  }
0x108: {  	v4 =	vmul.f32 $1.999999990e-06, v4;
	v7 =	vsub.f32 v9, v7;
	v47 =	vadd.f32 v10, v3  }
0x109: {  	v49 =	vmul.f32 v2, v46;
	v50 =	vsub.f32 v8, v48;
	v3 =	vadd.f32 v6, v3  }
0x10a: {  	v5 =	vmul.f32 v15, v5;
	v4 =	vadd.f32 v7, v4;
	v7 =	vadd.f32 $1.599999990e-11, v47  }
0x10b: {  	v1 =	vmul.f32 v2, v1;
	v2 =	vsub.f32 v8, v49;
	v3 =	vadd.f32 $1.599999990e-11, v3  }
0x10c: {  	v51 =	vmul.f32 $1.999999990e-06, v50;
	v5 =	vsub.f32 v7, v5  }
0x10d: {  	v2 =	vmul.f32 $1.999999990e-06, v2;
	v52 =	vmax.f32 v4, $1.000000000e-30;
	v1 =	vsub.f32 v3, v1  }
0x10e: {  	v7 =	vmul.f32 $5.000000000e-01, v52;
	v3 =	vshra.s32 v52, $0x1;
	v5 =	vadd.f32 v5, v51  }
0x10f: {  	v3 =	vsub.s32 $0x5F3759DF, v3;
	v1 =	vadd.f32 v1, v2  }
0x110: {  	v2 =	vmul.f32 v3, v7;
	v6 =	vmax.f32 v5, $1.000000000e-30  }
0x111: {  	v53 =	vshra.s32 v6, $0x1;
	v6 =	vmul.f32 $5.000000000e-01, v6;
	v54 =	vmax.f32 v1, $1.000000000e-30  }
0x112: {  	v8 =	vsub.s32 $0x5F3759DF, v53;
	v55 =	vshra.s32 v54, $0x1;
	v9 =	vmul.f32 $5.000000000e-01, v54  }
0x113: {  	v56 =	vmul.f32 v8, v6;
	v10 =	vsub.s32 $0x5F3759DF, v55  }
0x114: {  	v2 =	vmul.f32 v3, v2;
	v57 =	vmul.f32 v10, v9  }
0x115: {  	v11 =	vmul.f32 v8, v56  }
0x116: {  	v2 =	vsub.f32 $1.500000000e+00, v2;
	v12 =	vmul.f32 v10, v57  }
0x117: {  	v11 =	vsub.f32 $1.500000000e+00, v11  }
0x118: {  	v2 =	vmul.f32 v3, v2;
	v3 =	vsub.f32 $1.500000000e+00, v12  }
0x119: {  	v8 =	vmul.f32 v8, v11  }
0x11a: {  	v58 =	vmul.f32 v2, v7;
	v3 =	vmul.f32 v10, v3  }
0x11b: {  	v59 =	vmul.f32 v8, v6  }
0x11c: {  	v11 =	vmul.f32 v58, v2;
	v60 =	vmul.f32 v3, v9  }
0x11d: {  	v10 =	vmul.f32 v59, v8  }
0x11e: {  	v11 =	vsub.f32 $1.500000000e+00, v11;
	v12 =	vmul.f32 v60, v3  }
0x11f: {  	v10 =	vsub.f32 $1.500000000e+00, v10  }
0x120: {  	v2 =	vmul.f32 v11, v2;
	v61 =	vsub.f32 $1.500000000e+00, v12  }
0x121: {  	v8 =	vmul.f32 v10, v8  }
0x122: {  	v7 =	vmul.f32 v2, v7;
	v3 =	vmul.f32 v61, v3  }
0x123: {  	v6 =	vmul.f32 v8, v6  }
0x124: {  	v7 =	vmul.f32 v7, v2;
	v9 =	vmul.f32 v3, v9  }
0x125: {  	v6 =	vmul.f32 v6, v8  }
0x126: {  	v7 =	vsub.f32 $1.500000000e+00, v7;
	v9 =	vmul.f32 v9, v3  }
0x127: {  	v6 =	vsub.f32 $1.500000000e+00, v6  }
0x128: {  	v2 =	vmul.f32 v7, v2;
	v62 =	vsub.f32 $1.500000000e+00, v9  }
0x129: {  	v4 =	vmax.f32 v4, $0.0e+00;
	v6 =	vmul.f32 v6, v8  }
0x12a: {  	v63 =	vmax.f32 v5, $0.0e+00;
	v2 =	vmul.f32 v2, v4;
	v3 =	vmul.f32 v62, v3  }
0x12b: {  	v1 =	vmax.f32 v1, $0.0e+00;
	v4 =	vmul.f32 v6, v63  }
0x12c: {  	v2 =	vmul.f32 $5.000000000e-01, v2;
	v1 =	vmul.f32 v3, v1  }
0x12d: {  	p0 =	sne.s32 s0, $0x1F0;
	v3 =	vmul.f32 $5.000000000e-01, v4  }
.Ltmp0:
0x12e: {  	v2 =	vsub.f32 $1.000000000e+00, v2;
	v1 =	vmul.f32 $5.000000000e-01, v1;
	(pc) =	sbr.rel @p0 .LBB2_2-.Ltmp0, $4  }
0x12f: {  	v3 =	vsub.f32 $1.000000000e+00, v3  }
0x130: {  	[tilespmem:s31+$0x0] =	vst v2;
	v1 =	vsub.f32 $1.000000000e+00, v1  }
0x131: {  	s0 =	sadd.s32 $0x10, s0;
	[tilespmem:s30+$0x0] =	vst v3  }
0x132: {  	s31 =	sadd.s32 $0x10, s31;
	s30 =	sadd.s32 $0x10, s30;
	[tilespmem:s29+$0x0] =	vst v1;
	s29 =	sadd.s32 $0x10, s29  }
0x133: {  	[hbm4b:s9+s1] =	stream.linear.scatter [tilespmem:s23], [sflag:$0x2], $0x200, $0x38;
	[tilespmem:$0x8E00] =	vst v63  }
0x134: {  	_ =	swait.ge [sflag:s24], $0x200  }
0x135: {  	[sflag:s24] =	ssyncset.done $0x0  }
0x136: {  	[sflag:s24] =	ssyncadd.s32 $0xFFFFFE00  }
0x137: {  	[hbm4b:s10+s1] =	stream.linear.scatter [tilespmem:s25], [sflag:$0x2], $0x200, $0x38;
	[tilespmem:$0x8E00] =	vst v63  }
0x138: {  	s28 =	sadd.s32 $0x1, s28;
	_ =	swait.ge [sflag:s24], $0x200  }
0x139: {  	p0 =	sne.s32 s28, s12;
	[sflag:s24] =	ssyncset.done $0x0  }
.Ltmp1:
0x13a: {  	[sflag:s24] =	ssyncadd.s32 $0xFFFFFE00;
	(pc) =	sbr.rel @p0 .LBB2_1-.Ltmp1, $4  }
0x13b: {  	[hbm4b:s11+s1] =	stream.linear.scatter [tilespmem:s26], [sflag:$0x2], $0x200, $0x38;
	[tilespmem:$0x8E00] =	vst v63  }
0x13c: {  	_ =	swait.ge [sflag:s24], $0x200  }
0x13d: {  	[sflag:s24] =	ssyncset.done $0x0  }
0x13e: {  	[sflag:s24] =	ssyncadd.s32 $0xFFFFFE00  }
0x13f: {  	_ =	sfence.sel $0x180000  }
0x140: {  	[bflag:$0x0] =	sbarrier.arrive $0xFFFF  }
0x141: {  	_ =	strace $0x90000047  }
0x142: {  	s0 =	stileid.u32;
	[bflag:$0x2] =	sbarrier.arrive $0xFFFF  }
0x143: {  	p0 =	sne.s32 s0, $0x0;
	s0 =	rddreg [dreg:$0x8]  }
0x144: {  	s0 =	sadd.s32 @!p0 $0x100000, s0  }
0x145: {  	[sflag:s0] =	ssyncadd.tile.s32 @!p0 $0x1;
	_ =	shalt  }
.Lfunc_end2:
_tile_overlayer_lowered:
.L_overlay_start_2:
0x146: {  	(tag) =	ssettag $0x2  }
0x147: {  	s0 =	rddreg [dreg:$0x0];
	s2 =	stileid.u32  }
0x148: {  	s1 =	rddreg [dreg:$0x1];
	p0 =	sne.s32 s2, $0x0  }
0x149: {  	s3 =	rddreg [dreg:$0x2];
	[bflag:$0x3] =	sbarrier.arrive $0xFFFF;
	s2 =	simm.s32 @!p0 $0x1C02  }
0x14a: {  	[timem:s3], [sflag:s2] =	dma.local @!p0 [hbm:s0], s1  }
0x14b: {  	s0 =	simm.s32 @!p0 $0x2  }
0x14c: {  	_ =	swait.ge @!p0 [sflag:s0], s1  }
0x14d: {  	s1 =	ssub.s32 @!p0 $0x0, s1;
	[sflag:s0] =	ssyncset.done @!p0 $0x0  }
0x14e: {  	[sflag:s0] =	ssyncadd.s32 @!p0 s1  }
0x14f: {  	[bflag:$0x3] =	sbarrier.arrive $0xFFFF  }
0x150: {  	_ =	shalt  }

</sc_bundles>
